<compile_context>
chip_gen: v7x
topology: tpu7x:2x2x1
jax: 0.10.2.dev20260603
libtpu: 0.0.44.dev20260713+nightly
codegen_flags: <defaults>
</compile_context>

<pallas_src>
import functools

import jax
import jax.numpy as jnp
from jax.experimental import pallas as pl
from jax.experimental.pallas import tpu as pltpu
from jax.experimental.pallas import tpu_sc as plsc
from jax.sharding import Mesh, PartitionSpec as P

try:
    from jax import shard_map as _shard_map
except ImportError:
    from jax.experimental.shard_map import shard_map as _shard_map

EMBED_DIM = 256
CODEBOOK = 8192
INPUT_DIM = 768
N_ROWS = 16 * 576
TILE = 256
GW = 128


def _prep_kernel(emb_ref, emb_n_ref, emb_t_ref):
    emb = emb_ref[...]
    norms = jnp.sqrt(jnp.sum(emb * emb, axis=0, keepdims=True))
    emb_n_ref[...] = (emb / (norms + 1e-12)).astype(jnp.bfloat16)
    emb_t_ref[...] = emb.T


def _vq_kernel(inp_ref, w_in_ref, b_in_ref, emb_n_ref,
               x_ref, enc_ref, idx_ref):
    x = jnp.dot(inp_ref[...].astype(jnp.bfloat16),
                w_in_ref[...].astype(jnp.bfloat16),
                preferred_element_type=jnp.float32) + b_in_ref[...]
    x_ref[...] = x
    norm = jnp.sqrt(jnp.sum(x * x, axis=1, keepdims=True))
    x_n = x / (norm + 1e-12)
    logits = jnp.dot(x_n.astype(jnp.bfloat16), emb_n_ref[...],
                     preferred_element_type=jnp.float32)

    SLAB = CODEBOOK // 4
    iota_s = jax.lax.broadcasted_iota(jnp.int32, (TILE, SLAB), 1)

    def slab_argmax(s):
        sl = logits[:, s * SLAB:(s + 1) * SLAB]
        m = jnp.max(sl, axis=1, keepdims=True)
        j = jnp.min(jnp.where(sl == m, iota_s, CODEBOOK), axis=1) + s * SLAB
        return m[:, 0], j

    accv, accj = slab_argmax(0)
    accv = accv.astype(jnp.bfloat16).astype(jnp.float32)
    for s in range(1, 4):
        v, j = slab_argmax(s)
        upd = (v > accv) | ((v == accv) & (j < accj))
        accv = jnp.where(upd, v.astype(jnp.bfloat16).astype(jnp.float32), accv)
        accj = jnp.where(upd, j, accj)
    idx = accj

    iota = jax.lax.broadcasted_iota(jnp.int32, (TILE, CODEBOOK), 1)
    enc_ref[...] = (iota == idx[:, None]).astype(jnp.float32)
    idx_ref[0, 0, :] = idx


def _out_kernel(q_ref, x_ref, w_out_ref, b_out_ref, out_ref, loss_ref):
    q = q_ref[...]
    out_ref[...] = jnp.dot(q.astype(jnp.bfloat16),
                           w_out_ref[...].astype(jnp.bfloat16),
                           preferred_element_type=jnp.float32) + b_out_ref[...]
    diff = q - x_ref[...]
    part = 2.0 * jnp.sum(diff * diff) / (N_ROWS * EMBED_DIM)
    loss_ref[...] = part.reshape(1, 1, 1)


def _sc_gather(emb_t, idx_flat):
    n_rows = idx_flat.shape[1]
    mesh = plsc.VectorSubcoreMesh(core_axis_name="core",
                                  subcore_axis_name="subcore")

    @functools.partial(
        pl.kernel,
        out_type=jax.ShapeDtypeStruct((n_rows, EMBED_DIM), jnp.float32),
        mesh=mesh)
    def gather_kernel(t_hbm, i_hbm, q_hbm):
        def body(i_vmem, o_vmem):
            pltpu.sync_copy(t_hbm.at[i_vmem.at[0]], o_vmem)

        pltpu.emit_pipeline(
            body,
            grid=(n_rows // GW,),
            in_specs=[pl.BlockSpec((1, GW), index_map=lambda i: (0, i))],
            out_specs=[pl.BlockSpec((GW, EMBED_DIM), index_map=lambda i: (i, 0))],
            core_axis_name="subcore",
            dimension_semantics=(pltpu.PARALLEL,),
        )(i_hbm, q_hbm)

    return gather_kernel(emb_t, idx_flat)


def _shard_body(inp_flat, W_in, b_in, embeddings, W_out, b_out):
    n_rows = inp_flat.shape[0]
    n_tiles = n_rows // TILE

    emb_n_bf, emb_t = pl.pallas_call(
        _prep_kernel,
        in_specs=[pl.BlockSpec((EMBED_DIM, CODEBOOK), lambda: (0, 0))],
        out_specs=[pl.BlockSpec((EMBED_DIM, CODEBOOK), lambda: (0, 0)),
                   pl.BlockSpec((CODEBOOK, EMBED_DIM), lambda: (0, 0))],
        out_shape=[jax.ShapeDtypeStruct((EMBED_DIM, CODEBOOK), jnp.bfloat16),
                   jax.ShapeDtypeStruct((CODEBOOK, EMBED_DIM), jnp.float32)],
    )(embeddings)

    x, enc, idx = pl.pallas_call(
        _vq_kernel,
        grid=(n_tiles,),
        in_specs=[
            pl.BlockSpec((TILE, INPUT_DIM), lambda i: (i, 0)),
            pl.BlockSpec((INPUT_DIM, EMBED_DIM), lambda i: (0, 0)),
            pl.BlockSpec((1, EMBED_DIM), lambda i: (0, 0)),
            pl.BlockSpec((EMBED_DIM, CODEBOOK), lambda i: (0, 0)),
        ],
        out_specs=[
            pl.BlockSpec((TILE, EMBED_DIM), lambda i: (i, 0)),
            pl.BlockSpec((TILE, CODEBOOK), lambda i: (i, 0)),
            pl.BlockSpec((1, 1, TILE), lambda i: (i, 0, 0)),
        ],
        out_shape=[
            jax.ShapeDtypeStruct((n_rows, EMBED_DIM), jnp.float32),
            jax.ShapeDtypeStruct((n_rows, CODEBOOK), jnp.float32),
            jax.ShapeDtypeStruct((n_tiles, 1, TILE), jnp.int32),
        ],
        compiler_params=pltpu.CompilerParams(
            dimension_semantics=("arbitrary",)),
    )(inp_flat, W_in, b_in, emb_n_bf)

    q = _sc_gather(emb_t, idx.reshape(1, n_rows))

    out, loss = pl.pallas_call(
        _out_kernel,
        grid=(n_tiles,),
        in_specs=[
            pl.BlockSpec((TILE, EMBED_DIM), lambda i: (i, 0)),
            pl.BlockSpec((TILE, EMBED_DIM), lambda i: (i, 0)),
            pl.BlockSpec((EMBED_DIM, INPUT_DIM), lambda i: (0, 0)),
            pl.BlockSpec((1, INPUT_DIM), lambda i: (0, 0)),
        ],
        out_specs=[
            pl.BlockSpec((TILE, INPUT_DIM), lambda i: (i, 0)),
            pl.BlockSpec((1, 1, 1), lambda i: (i, 0, 0)),
        ],
        out_shape=[
            jax.ShapeDtypeStruct((n_rows, INPUT_DIM), jnp.float32),
            jax.ShapeDtypeStruct((n_tiles, 1, 1), jnp.float32),
        ],
        compiler_params=pltpu.CompilerParams(
            dimension_semantics=("arbitrary",)),
    )(q, x, W_out, b_out)

    return out, enc, idx, loss


@jax.jit
def kernel(inputs, W_in, b_in, embeddings, W_out, b_out):
    B, T, _ = inputs.shape
    inp_flat = inputs.reshape(N_ROWS, INPUT_DIM)
    b_in2 = b_in.reshape(1, EMBED_DIM)
    b_out2 = b_out.reshape(1, INPUT_DIM)

    devs = [d for d in jax.devices() if d.platform == "tpu"][:2]
    if len(devs) == 2:
        mesh = Mesh(devs, ("x",))
        sharded = _shard_map(
            _shard_body, mesh=mesh,
            in_specs=(P("x", None), P(None, None), P(None, None),
                      P(None, None), P(None, None), P(None, None)),
            out_specs=(P("x", None), P("x", None), P("x", None, None),
                       P("x", None, None)),
            check_vma=False,
        )
        out, enc, idx, loss = sharded(inp_flat, W_in, b_in2, embeddings,
                                      W_out, b_out2)
    else:
        out, enc, idx, loss = _shard_body(inp_flat, W_in, b_in2, embeddings,
                                          W_out, b_out2)

    encoding_indices = idx.reshape(B, T)
    return (out.reshape(B, T, INPUT_DIM), enc, encoding_indices,
            jnp.sum(loss))

# --- scband reference (transcript-rebuilt; emitter-appended) ---
"""Pipeline reference for scband-vector-quantizer-58454504898974 (READ-ONLY COPY).

The authoritative reference and input builder live on the scoring server;
editing this copy changes nothing except your own understanding.
"""

import jax, jax.numpy as jnp
import numpy as np

EMBED_DIM = 256
CODEBOOK = 8192
INPUT_DIM = 768

def setup_inputs(seed: int = 0) -> dict:
    key = jax.random.key(seed)
    ks = jax.random.split(key, 6)
    inputs = jax.random.normal(ks[0], (16, 576, INPUT_DIM), dtype=jnp.float32)
    W_in = jax.random.normal(ks[1], (INPUT_DIM, EMBED_DIM), dtype=jnp.float32) * 0.02
    b_in = jnp.zeros((EMBED_DIM,), dtype=jnp.float32)
    embeddings = jax.random.normal(ks[2], (EMBED_DIM, CODEBOOK), dtype=jnp.float32) * 0.05
    W_out = jax.random.normal(ks[3], (EMBED_DIM, INPUT_DIM), dtype=jnp.float32) * 0.02
    b_out = jnp.zeros((INPUT_DIM,), dtype=jnp.float32)
    return {"inputs": inputs, "W_in": W_in, "b_in": b_in, "embeddings": embeddings, "W_out": W_out, "b_out": b_out}

def reference(inputs, W_in, b_in, embeddings, W_out, b_out):
    # projection_in (Dense, since input_dim != embedding_dim)
    x = jnp.dot(inputs, W_in) + b_in  # [B, T, D]
    flat = x.reshape(-1, EMBED_DIM)   # [N, D]
    # get_code_indices with l2-normalized cosine similarity (use_l2norm=True since use_ema=False)
    flat_n = flat / (jnp.linalg.norm(flat, axis=1, keepdims=True) + 1e-12)
    emb_n = embeddings / (jnp.linalg.norm(embeddings, axis=0, keepdims=True) + 1e-12)
    logits = jnp.dot(flat_n, emb_n)  # [N, K] -- dominant compute
    # GumbelSoftmaxLayer in eval mode (training=False): plain argmax + one_hot
    indices = jnp.argmax(logits, axis=1)
    encodings = jax.nn.one_hot(indices, CODEBOOK, dtype=jnp.float32)
    encoding_indices = indices.reshape(x.shape[:-1])  # [B, T]
    # embedding_lookup on transposed codebook
    quantized = jnp.take(embeddings.T, encoding_indices, axis=0)  # [B, T, D]
    # losses
    commitment_loss = jnp.mean(jnp.square(jax.lax.stop_gradient(quantized) - x))
    loss = commitment_loss * 1.0
    codebook_loss = jnp.mean(jnp.square(quantized - jax.lax.stop_gradient(x)))
    loss = loss + codebook_loss
    # training=False: no straight-through re-assignment
    out = jnp.dot(quantized, W_out) + b_out  # projection_out
    return out, encodings, encoding_indices, loss

if __name__ == "__main__":
    import jax
    _d = setup_inputs()
    print(jax.jit(kernel)(*tuple(_d.values())))

</pallas_src>

<mosaic_0001>
#map = affine_map<(d0, d1) -> (0, 0)>
module attributes {stable_mosaic.version = 14 : i64} {
  func.func @gather_kernel(%arg0: i32, %arg1: i32, %arg2: memref<8192x256xf32, #tpu.memory_space<hbm>>, %arg3: memref<1x9216xi32, #tpu.memory_space<hbm>>, %arg4: memref<9216x256xf32, #tpu.memory_space<hbm>>) attributes {dimension_semantics = [#tpu.dimension_semantics<core_parallel>, #tpu.dimension_semantics<subcore_parallel>], iteration_bounds = array<i64: 2, 16>, scalar_prefetch = 0 : i64, scratch_operands = 0 : i64, tpu.core_type = #tpu.core_type<sc_vector_subcore>, window_params = [{transform_indices = #map}, {transform_indices = #map}, {transform_indices = #map}]} {
    %lt3A = arith.constant 8 : i32
    %lt3A_0 = arith.cmpi slt, %arg1, %lt3A : i32
    %jit3A = arith.constant 5 : i32
    %jit3A_1 = arith.constant 4 : i32
    %select_n3A = arith.select %lt3A_0, %jit3A, %jit3A_1 : i32
    %lt3A_2 = arith.constant 8 : i32
    %lt3A_3 = arith.cmpi slt, %arg1, %lt3A_2 : i32
    %mul3A = arith.muli %arg1, %select_n3A : i32
    %mul3A_4 = arith.constant 4 : i32
    %mul3A_5 = arith.muli %arg1, %mul3A_4 : i32
    %add3A = arith.constant 8 : i32
    %add3A_6 = arith.addi %mul3A_5, %add3A : i32
    %select_n3A_7 = arith.select %lt3A_3, %mul3A, %add3A_6 : i32
    %mul3A_8 = arith.constant 1 : i32
    %mul3A_9 = arith.muli %mul3A_8, %select_n3A : i32
    "tpu.region"() ({
      %run_scoped3A = memref.alloca() : memref<2x1x128xi32, #tpu.memory_space<vmem>>
      %run_scoped3A_10 = tpu.sem_alloc : memref<2x!tpu.dma_semaphore, #tpu.memory_space<semaphore_mem>>
      %run_scoped3A_11 = memref.alloca() : memref<2x128x256xf32, #tpu.memory_space<vmem>>
      %run_scoped3A_12 = tpu.sem_alloc : memref<2x!tpu.dma_semaphore, #tpu.memory_space<semaphore_mem>>
      %gt3A = arith.constant 0 : i32
      %gt3A_13 = arith.cmpi sgt, %mul3A_9, %gt3A : i32
      %convert_element_type3A = arith.extui %gt3A_13 : i1 to i32
      %cond3A = arith.constant 0 : i32
      %cond3A_14 = arith.cmpi ne, %convert_element_type3A, %cond3A : i32
      scf.if %cond3A_14 {
        %mul3A_15 = arith.constant 1 : i32
        %mul3A_16 = arith.muli %mul3A_15, %select_n3A : i32
        %sub3A = arith.constant 1 : i32
        %sub3A_17 = arith.subi %mul3A_16, %sub3A : i32
        %eq3A = arith.constant 0 : i32
        %eq3A_18 = arith.cmpi eq, %sub3A_17, %eq3A : i32
        %add3A_19 = arith.constant 0 : i32
        %add3A_20 = arith.addi %add3A_19, %select_n3A_7 : i32
        %select_n3A_21 = arith.constant true
        %select_n3A_22 = arith.constant 0 : i32
        %select_n3A_23 = arith.constant -1 : i32
        %select_n3A_24 = arith.select %select_n3A_21, %select_n3A_23, %select_n3A_22 : i32
        %eq3A_25 = arith.constant -1 : i32
        %eq3A_26 = arith.cmpi eq, %select_n3A_24, %eq3A_25 : i32
        %sub3A_27 = arith.constant 1 : i32
        %sub3A_28 = arith.subi %select_n3A, %sub3A_27 : i32
        %select_n3A_29 = arith.select %eq3A_26, %sub3A_28, %select_n3A_24 : i32
        %add3A_30 = arith.addi %select_n3A_29, %select_n3A_7 : i32
        %select_n3A_31 = arith.constant true
        %select_n3A_32 = arith.constant 0 : i32
        %select_n3A_33 = arith.constant 1 : i32
        %select_n3A_34 = arith.select %select_n3A_31, %select_n3A_33, %select_n3A_32 : i32
        %eq3A_35 = arith.cmpi eq, %select_n3A_34, %select_n3A : i32
        %select_n3A_36 = arith.constant 0 : i32
        %select_n3A_37 = arith.select %eq3A_35, %select_n3A_36, %select_n3A_34 : i32
        %add3A_38 = arith.addi %select_n3A_37, %select_n3A_7 : i32
        %add3A_39 = arith.constant 1 : i32
        %add3A_40 = arith.addi %select_n3A_37, %add3A_39 : i32
        %select_n3A_41 = arith.constant true
        %select_n3A_42 = arith.select %select_n3A_41, %add3A_40, %select_n3A_37 : i32
        %eq3A_43 = arith.cmpi eq, %select_n3A_42, %select_n3A : i32
        %select_n3A_44 = arith.constant 0 : i32
        %select_n3A_45 = arith.select %eq3A_43, %select_n3A_44, %select_n3A_42 : i32
        %add3A_46 = arith.addi %select_n3A_45, %select_n3A_7 : i32
        "tpu.trace_start"() <{level = 10 : i32, message = "ep_initialize_0"}> : () -> ()
        %rem3A = arith.constant 0 : i32
        %rem3A_47 = arith.constant 2 : i32
        %rem3A_48 = arith.remui %rem3A, %rem3A_47 : i32
        %mul3A_49 = arith.constant 128 : i32
        %mul3A_50 = arith.muli %mul3A_49, %add3A_20 : i32
        %dma_start3A = arith.constant 0 : i32
        %dma_start3A_51 = arith.constant 0 : i32
        %dma_start3A_52 = tpu.memref_slice %run_scoped3A[%rem3A_48, %dma_start3A, %dma_start3A_51] : memref<2x1x128xi32, #tpu.memory_space<vmem>> -> memref<1x1x128xi32, #tpu.memory_space<vmem>>
        %dma_start3A_53 = tpu.memref_squeeze %dma_start3A_52 : memref<1x1x128xi32, #tpu.memory_space<vmem>> -> memref<1x128xi32, #tpu.memory_space<vmem>>
        %dma_start3A_54 = arith.constant 0 : i32
        %dma_start3A_55 = tpu.memref_slice %arg3[%dma_start3A_54, %mul3A_50] : memref<1x9216xi32, #tpu.memory_space<hbm>> -> memref<1x128xi32, #tpu.memory_space<hbm>>
        %dma_start3A_56 = tpu.memref_slice %run_scoped3A_10[%rem3A_48] : memref<2x!tpu.dma_semaphore, #tpu.memory_space<semaphore_mem>> -> memref<1x!tpu.dma_semaphore, #tpu.memory_space<semaphore_mem>>
        %dma_start3A_57 = tpu.memref_squeeze %dma_start3A_56 : memref<1x!tpu.dma_semaphore, #tpu.memory_space<semaphore_mem>> -> memref<!tpu.dma_semaphore, #tpu.memory_space<semaphore_mem>>
        %dma_start3A_58 = arith.constant 0 : i32
        %dma_start3A_59 = arith.constant 0 : i32
        %dma_start3A_60 = tpu.memref_slice %run_scoped3A[%rem3A_48, %dma_start3A_58, %dma_start3A_59] : memref<2x1x128xi32, #tpu.memory_space<vmem>> -> memref<1x1x128xi32, #tpu.memory_space<vmem>>
        %dma_start3A_61 = tpu.memref_squeeze %dma_start3A_60 : memref<1x1x128xi32, #tpu.memory_space<vmem>> -> memref<1x128xi32, #tpu.memory_space<vmem>>
        %dma_start3A_62 = arith.constant 0 : i32
        %dma_start3A_63 = tpu.memref_slice %arg3[%dma_start3A_62, %mul3A_50] : memref<1x9216xi32, #tpu.memory_space<hbm>> -> memref<1x128xi32, #tpu.memory_space<hbm>>
        tpu.enqueue_dma source(%dma_start3A_63 : memref<1x128xi32, #tpu.memory_space<hbm>>) target(%dma_start3A_61 : memref<1x128xi32, #tpu.memory_space<vmem>>) target_semaphore(%dma_start3A_57 : memref<!tpu.dma_semaphore, #tpu.memory_space<semaphore_mem>>)
        %add3A_64 = arith.constant 0 : i32
        %add3A_65 = arith.constant 1 : i32
        %add3A_66 = arith.addi %add3A_64, %add3A_65 : i32
        %select_n3A_67 = arith.constant true
        %select_n3A_68 = arith.constant 0 : i32
        %select_n3A_69 = arith.select %select_n3A_67, %add3A_66, %select_n3A_68 : i32
        %while3A = arith.constant 0 : i32
        %while3A_70 = arith.constant 0 : i32
        %while3A_71 = arith.constant 0 : i32
        %while3A_72 = arith.constant 0 : i32
        %while3A_73 = arith.constant 0 : i32
        "tpu.trace_stop"() : () -> ()
        %while3A_74 = arith.subi %mul3A_9, %while3A : i32
        %while3A_75 = arith.addi %while3A, %while3A_74 : i32
        %while3A_76 = arith.constant 1 : i32
        %while3A_77 = arith.divsi %while3A_74, %while3A_76 : i32
        %while3A_78 = arith.muli %while3A_77, %while3A_76 : i32
        %while3A_79 = arith.addi %while3A, %while3A_78 : i32
        %while3A_80 = arith.constant 1 : i32
        %while3A_81:5 = scf.for %while3A_135 = %while3A to %while3A_79 step %while3A_80 iter_args(%while3A_136 = %select_n3A_69, %while3A_137 = %while3A_70, %while3A_138 = %while3A_71, %while3A_139 = %while3A_72, %while3A_140 = %while3A_73) -> (i32, i32, i32, i32, i32)  : i32 {
          %mul3A_141 = arith.constant 1 : i32
          %mul3A_142 = arith.muli %mul3A_141, %select_n3A : i32
          %eq3A_143 = arith.constant 0 : i32
          %eq3A_144 = arith.cmpi eq, %while3A_135, %eq3A_143 : i32
          %sub3A_145 = arith.constant 1 : i32
          %sub3A_146 = arith.subi %mul3A_142, %sub3A_145 : i32
          %eq3A_147 = arith.cmpi eq, %while3A_135, %sub3A_146 : i32
          %add3A_148 = arith.addi %while3A_140, %select_n3A_7 : i32
          %sub3A_149 = arith.constant 1 : i32
          %sub3A_150 = arith.subi %while3A_140, %sub3A_149 : i32
          %select_n3A_151 = arith.constant true
          %select_n3A_152 = arith.select %select_n3A_151, %sub3A_150, %while3A_140 : i32
          %eq3A_153 = arith.constant -1 : i32
          %eq3A_154 = arith.cmpi eq, %select_n3A_152, %eq3A_153 : i32
          %sub3A_155 = arith.constant 1 : i32
          %sub3A_156 = arith.subi %select_n3A, %sub3A_155 : i32
          %select_n3A_157 = arith.select %eq3A_154, %sub3A_156, %select_n3A_152 : i32
          %add3A_158 = arith.addi %select_n3A_157, %select_n3A_7 : i32
          %add3A_159 = arith.constant 1 : i32
          %add3A_160 = arith.addi %while3A_140, %add3A_159 : i32
          %select_n3A_161 = arith.constant true
          %select_n3A_162 = arith.select %select_n3A_161, %add3A_160, %while3A_140 : i32
          %eq3A_163 = arith.cmpi eq, %select_n3A_162, %select_n3A : i32
          %select_n3A_164 = arith.constant 0 : i32
          %select_n3A_165 = arith.select %eq3A_163, %select_n3A_164, %select_n3A_162 : i32
          %add3A_166 = arith.addi %select_n3A_165, %select_n3A_7 : i32
          %add3A_167 = arith.constant 1 : i32
          %add3A_168 = arith.addi %select_n3A_165, %add3A_167 : i32
          %select_n3A_169 = arith.constant true
          %select_n3A_170 = arith.select %select_n3A_169, %add3A_168, %select_n3A_165 : i32
          %eq3A_171 = arith.cmpi eq, %select_n3A_170, %select_n3A : i32
          %select_n3A_172 = arith.constant 0 : i32
          %select_n3A_173 = arith.select %eq3A_171, %select_n3A_172, %select_n3A_170 : i32
          %add3A_174 = arith.addi %select_n3A_173, %select_n3A_7 : i32
          %ne3A = arith.cmpi ne, %add3A_148, %add3A_166 : i32
          %or3A = arith.constant false
          %or3A_175 = arith.ori %or3A, %ne3A : i1
          %sub3A_176 = arith.constant 2 : i32
          %sub3A_177 = arith.subi %mul3A_142, %sub3A_176 : i32
          %add3A_178 = arith.constant 1 : i32
          %add3A_179 = arith.addi %sub3A_177, %add3A_178 : i32
          %ge3A = arith.cmpi sge, %while3A_135, %add3A_179 : i32
          %not3A = arith.constant true
          %not3A_180 = arith.xori %ge3A, %not3A : i1
          %and3A = arith.andi %or3A_175, %not3A_180 : i1
          %convert_element_type3A_181 = arith.extui %and3A : i1 to i32
          %cond3A_182 = arith.constant 0 : i32
          %cond3A_183 = arith.cmpi ne, %convert_element_type3A_181, %cond3A_182 : i32
          scf.if %cond3A_183 {
            "tpu.trace_start"() <{level = 10 : i32, message = "ep_copy_in"}> : () -> ()
            %rem3A_287 = arith.constant 2 : i32
            %rem3A_288 = arith.remui %while3A_136, %rem3A_287 : i32
            %mul3A_289 = arith.constant 128 : i32
            %mul3A_290 = arith.muli %mul3A_289, %add3A_166 : i32
            %dma_start3A_291 = arith.constant 0 : i32
            %dma_start3A_292 = arith.constant 0 : i32
            %dma_start3A_293 = tpu.memref_slice %run_scoped3A[%rem3A_288, %dma_start3A_291, %dma_start3A_292] : memref<2x1x128xi32, #tpu.memory_space<vmem>> -> memref<1x1x128xi32, #tpu.memory_space<vmem>>
            %dma_start3A_294 = tpu.memref_squeeze %dma_start3A_293 : memref<1x1x128xi32, #tpu.memory_space<vmem>> -> memref<1x128xi32, #tpu.memory_space<vmem>>
            %dma_start3A_295 = arith.constant 0 : i32
            %dma_start3A_296 = tpu.memref_slice %arg3[%dma_start3A_295, %mul3A_290] : memref<1x9216xi32, #tpu.memory_space<hbm>> -> memref<1x128xi32, #tpu.memory_space<hbm>>
            %dma_start3A_297 = tpu.memref_slice %run_scoped3A_10[%rem3A_288] : memref<2x!tpu.dma_semaphore, #tpu.memory_space<semaphore_mem>> -> memref<1x!tpu.dma_semaphore, #tpu.memory_space<semaphore_mem>>
            %dma_start3A_298 = tpu.memref_squeeze %dma_start3A_297 : memref<1x!tpu.dma_semaphore, #tpu.memory_space<semaphore_mem>> -> memref<!tpu.dma_semaphore, #tpu.memory_space<semaphore_mem>>
            %dma_start3A_299 = arith.constant 0 : i32
            %dma_start3A_300 = arith.constant 0 : i32
            %dma_start3A_301 = tpu.memref_slice %run_scoped3A[%rem3A_288, %dma_start3A_299, %dma_start3A_300] : memref<2x1x128xi32, #tpu.memory_space<vmem>> -> memref<1x1x128xi32, #tpu.memory_space<vmem>>
            %dma_start3A_302 = tpu.memref_squeeze %dma_start3A_301 : memref<1x1x128xi32, #tpu.memory_space<vmem>> -> memref<1x128xi32, #tpu.memory_space<vmem>>
            %dma_start3A_303 = arith.constant 0 : i32
            %dma_start3A_304 = tpu.memref_slice %arg3[%dma_start3A_303, %mul3A_290] : memref<1x9216xi32, #tpu.memory_space<hbm>> -> memref<1x128xi32, #tpu.memory_space<hbm>>
            tpu.enqueue_dma source(%dma_start3A_304 : memref<1x128xi32, #tpu.memory_space<hbm>>) target(%dma_start3A_302 : memref<1x128xi32, #tpu.memory_space<vmem>>) target_semaphore(%dma_start3A_298 : memref<!tpu.dma_semaphore, #tpu.memory_space<semaphore_mem>>)
            "tpu.trace_stop"() : () -> ()
          } else {
          }
          %and3A_184 = arith.constant true
          %and3A_185 = arith.andi %and3A, %and3A_184 : i1
          %add3A_186 = arith.constant 1 : i32
          %add3A_187 = arith.addi %while3A_136, %add3A_186 : i32
          %select_n3A_188 = arith.select %and3A_185, %add3A_187, %while3A_136 : i32
          %ne3A_189 = arith.cmpi ne, %add3A_148, %add3A_166 : i32
          %or3A_190 = arith.constant false
          %or3A_191 = arith.ori %or3A_190, %ne3A_189 : i1
          %or3A_192 = arith.constant false
          %or3A_193 = arith.ori %or3A_191, %or3A_192 : i1
          %sub3A_194 = arith.constant 2 : i32
          %sub3A_195 = arith.subi %mul3A_142, %sub3A_194 : i32
          %add3A_196 = arith.constant 1 : i32
          %add3A_197 = arith.addi %sub3A_195, %add3A_196 : i32
          %ge3A_198 = arith.cmpi sge, %while3A_135, %add3A_197 : i32
          %not3A_199 = arith.constant true
          %not3A_200 = arith.xori %ge3A_198, %not3A_199 : i1
          %and3A_201 = arith.andi %or3A_193, %not3A_200 : i1
          %ne3A_202 = arith.cmpi ne, %add3A_148, %add3A_158 : i32
          %or3A_203 = arith.constant false
          %or3A_204 = arith.ori %or3A_203, %ne3A_202 : i1
          %or3A_205 = arith.ori %or3A_204, %eq3A_144 : i1
          %convert_element_type3A_206 = arith.extui %or3A_205 : i1 to i32
          %cond3A_207 = arith.constant 0 : i32
          %cond3A_208 = arith.cmpi ne, %convert_element_type3A_206, %cond3A_207 : i32
          scf.if %cond3A_208 {
            "tpu.trace_start"() <{level = 10 : i32, message = "ep_wait_in"}> : () -> ()
            %mul3A_287 = arith.constant 128 : i32
            %mul3A_288 = arith.muli %mul3A_287, %add3A_148 : i32
            %rem3A_289 = arith.constant 2 : i32
            %rem3A_290 = arith.remui %while3A_137, %rem3A_289 : i32
            %dma_wait3A = arith.constant 0 : i32
            %dma_wait3A_291 = arith.constant 0 : i32
            %dma_wait3A_292 = tpu.memref_slice %run_scoped3A[%rem3A_290, %dma_wait3A, %dma_wait3A_291] : memref<2x1x128xi32, #tpu.memory_space<vmem>> -> memref<1x1x128xi32, #tpu.memory_space<vmem>>
            %dma_wait3A_293 = tpu.memref_squeeze %dma_wait3A_292 : memref<1x1x128xi32, #tpu.memory_space<vmem>> -> memref<1x128xi32, #tpu.memory_space<vmem>>
            %dma_wait3A_294 = arith.constant 0 : i32
            %dma_wait3A_295 = tpu.memref_slice %arg3[%dma_wait3A_294, %mul3A_288] : memref<1x9216xi32, #tpu.memory_space<hbm>> -> memref<1x128xi32, #tpu.memory_space<hbm>>
            %dma_wait3A_296 = tpu.memref_slice %run_scoped3A_10[%rem3A_290] : memref<2x!tpu.dma_semaphore, #tpu.memory_space<semaphore_mem>> -> memref<1x!tpu.dma_semaphore, #tpu.memory_space<semaphore_mem>>
            %dma_wait3A_297 = tpu.memref_squeeze %dma_wait3A_296 : memref<1x!tpu.dma_semaphore, #tpu.memory_space<semaphore_mem>> -> memref<!tpu.dma_semaphore, #tpu.memory_space<semaphore_mem>>
            %dma_wait3A_298 = arith.constant 0 : i32
            %dma_wait3A_299 = arith.constant 0 : i32
            %dma_wait3A_300 = tpu.memref_slice %run_scoped3A[%rem3A_290, %dma_wait3A_298, %dma_wait3A_299] : memref<2x1x128xi32, #tpu.memory_space<vmem>> -> memref<1x1x128xi32, #tpu.memory_space<vmem>>
            %dma_wait3A_301 = tpu.memref_squeeze %dma_wait3A_300 : memref<1x1x128xi32, #tpu.memory_space<vmem>> -> memref<1x128xi32, #tpu.memory_space<vmem>>
            %dma_wait3A_302 = arith.constant 0 : i32
            %dma_wait3A_303 = tpu.memref_slice %arg3[%dma_wait3A_302, %mul3A_288] : memref<1x9216xi32, #tpu.memory_space<hbm>> -> memref<1x128xi32, #tpu.memory_space<hbm>>
            tpu.wait_dma2 semaphore(%dma_wait3A_297 : memref<!tpu.dma_semaphore, #tpu.memory_space<semaphore_mem>>) src(%dma_wait3A_303 : memref<1x128xi32, #tpu.memory_space<hbm>>) dst(%dma_wait3A_301 : memref<1x128xi32, #tpu.memory_space<vmem>>)
            "tpu.trace_stop"() : () -> ()
          } else {
          }
          %ne3A_209 = arith.cmpi ne, %add3A_148, %add3A_158 : i32
          %or3A_210 = arith.constant false
          %or3A_211 = arith.ori %or3A_210, %ne3A_209 : i1
          %or3A_212 = arith.constant false
          %or3A_213 = arith.ori %or3A_211, %or3A_212 : i1
          %or3A_214 = arith.ori %or3A_213, %eq3A_144 : i1
          %convert_element_type3A_215 = arith.extui %or3A_214 : i1 to i32
          %cond3A_216 = arith.constant 0 : i32
          %cond3A_217 = arith.cmpi ne, %convert_element_type3A_215, %cond3A_216 : i32
          scf.if %cond3A_217 {
          } else {
          }
          %rem3A_218 = arith.constant 2 : i32
          %rem3A_219 = arith.remui %while3A_137, %rem3A_218 : i32
          %rem3A_220 = arith.constant 2 : i32
          %rem3A_221 = arith.remui %while3A_138, %rem3A_220 : i32
          %run_scoped3A_222 = arith.constant 0 : i32
          "tpu.trace_start"() <{level = 10 : i32, message = "ep_run_kernel"}> : () -> ()
          "tpu.region"() ({
            %run_scoped3A_287 = tpu.sem_alloc : memref<!tpu.dma_semaphore, #tpu.memory_space<semaphore_mem>>
            %dma_start3A_288 = arith.constant 0 : i32
            %dma_start3A_289 = arith.constant 0 : i32
            %dma_start3A_290 = tpu.memref_slice %run_scoped3A_11[%rem3A_221, %dma_start3A_288, %dma_start3A_289] : memref<2x128x256xf32, #tpu.memory_space<vmem>> -> memref<1x128x256xf32, #tpu.memory_space<vmem>>
            %dma_start3A_291 = tpu.memref_squeeze %dma_start3A_290 : memref<1x128x256xf32, #tpu.memory_space<vmem>> -> memref<128x256xf32, #tpu.memory_space<vmem>>
            %dma_start3A_292 = arith.constant 0 : i32
            %dma_start3A_293 = arith.constant 0 : i32
            %dma_start3A_294 = tpu.memref_slice %run_scoped3A[%rem3A_219, %dma_start3A_292, %dma_start3A_293] : memref<2x1x128xi32, #tpu.memory_space<vmem>> -> memref<1x1x128xi32, #tpu.memory_space<vmem>>
            %dma_start3A_295 = tpu.memref_squeeze %dma_start3A_294 : memref<1x1x128xi32, #tpu.memory_space<vmem>> -> memref<1x128xi32, #tpu.memory_space<vmem>>
            %dma_start3A_296 = arith.constant 0 : i32
            %dma_start3A_297 = tpu.memref_slice %dma_start3A_295[%run_scoped3A_222, %dma_start3A_296] : memref<1x128xi32, #tpu.memory_space<vmem>> -> memref<1x128xi32, #tpu.memory_space<vmem>>
            %dma_start3A_298 = tpu.memref_squeeze %dma_start3A_297 : memref<1x128xi32, #tpu.memory_space<vmem>> -> memref<128xi32, #tpu.memory_space<vmem>>
            %dma_start3A_299 = arith.constant 0 : i32
            %dma_start3A_300 = arith.constant 0 : i32
            %dma_start3A_301 = tpu.memref_slice %arg2[%dma_start3A_299, %dma_start3A_300] : memref<8192x256xf32, #tpu.memory_space<hbm>> -> memref<8192x256xf32, #tpu.memory_space<hbm>>
            tpu.enqueue_indirect_dma source(%dma_start3A_301 : memref<8192x256xf32, #tpu.memory_space<hbm>>) target(%dma_start3A_291 : memref<128x256xf32, #tpu.memory_space<vmem>>) offsets(%dma_start3A_298 : memref<128xi32, #tpu.memory_space<vmem>>) semaphore(%run_scoped3A_287 : memref<!tpu.dma_semaphore, #tpu.memory_space<semaphore_mem>>)
            %dma_wait3A = arith.constant 0 : i32
            %dma_wait3A_302 = arith.constant 0 : i32
            %dma_wait3A_303 = tpu.memref_slice %run_scoped3A_11[%rem3A_221, %dma_wait3A, %dma_wait3A_302] : memref<2x128x256xf32, #tpu.memory_space<vmem>> -> memref<1x128x256xf32, #tpu.memory_space<vmem>>
            %dma_wait3A_304 = tpu.memref_squeeze %dma_wait3A_303 : memref<1x128x256xf32, #tpu.memory_space<vmem>> -> memref<128x256xf32, #tpu.memory_space<vmem>>
            %dma_wait3A_305 = arith.constant 0 : i32
            %dma_wait3A_306 = arith.constant 0 : i32
            %dma_wait3A_307 = tpu.memref_slice %run_scoped3A[%rem3A_219, %dma_wait3A_305, %dma_wait3A_306] : memref<2x1x128xi32, #tpu.memory_space<vmem>> -> memref<1x1x128xi32, #tpu.memory_space<vmem>>
            %dma_wait3A_308 = tpu.memref_squeeze %dma_wait3A_307 : memref<1x1x128xi32, #tpu.memory_space<vmem>> -> memref<1x128xi32, #tpu.memory_space<vmem>>
            %dma_wait3A_309 = arith.constant 0 : i32
            %dma_wait3A_310 = tpu.memref_slice %dma_wait3A_308[%run_scoped3A_222, %dma_wait3A_309] : memref<1x128xi32, #tpu.memory_space<vmem>> -> memref<1x128xi32, #tpu.memory_space<vmem>>
            %dma_wait3A_311 = tpu.memref_squeeze %dma_wait3A_310 : memref<1x128xi32, #tpu.memory_space<vmem>> -> memref<128xi32, #tpu.memory_space<vmem>>
            %dma_wait3A_312 = arith.constant 0 : i32
            %dma_wait3A_313 = arith.constant 0 : i32
            %dma_wait3A_314 = tpu.memref_slice %arg2[%dma_wait3A_312, %dma_wait3A_313] : memref<8192x256xf32, #tpu.memory_space<hbm>> -> memref<8192x256xf32, #tpu.memory_space<hbm>>
            tpu.wait_indirect_dma semaphore(%run_scoped3A_287 : memref<!tpu.dma_semaphore, #tpu.memory_space<semaphore_mem>>) src(%dma_wait3A_314 : memref<8192x256xf32, #tpu.memory_space<hbm>>) dst(%dma_wait3A_304 : memref<128x256xf32, #tpu.memory_space<vmem>>)
            tpu.yield
          }) : () -> ()
          "tpu.trace_stop"() : () -> ()
          %ne3A_223 = arith.cmpi ne, %add3A_148, %add3A_166 : i32
          %or3A_224 = arith.constant false
          %or3A_225 = arith.ori %or3A_224, %ne3A_223 : i1
          %or3A_226 = arith.ori %or3A_225, %eq3A_147 : i1
          %convert_element_type3A_227 = arith.extui %or3A_226 : i1 to i32
          %cond3A_228 = arith.constant 0 : i32
          %cond3A_229 = arith.cmpi ne, %convert_element_type3A_227, %cond3A_228 : i32
          scf.if %cond3A_229 {
          } else {
          }
          %and3A_230 = arith.constant false
          %and3A_231 = arith.andi %or3A_226, %and3A_230 : i1
          %ne3A_232 = arith.cmpi ne, %add3A_148, %add3A_166 : i32
          %or3A_233 = arith.constant false
          %or3A_234 = arith.ori %or3A_233, %ne3A_232 : i1
          %or3A_235 = arith.constant false
          %or3A_236 = arith.ori %or3A_234, %or3A_235 : i1
          %or3A_237 = arith.ori %or3A_236, %eq3A_147 : i1
          %convert_element_type3A_238 = arith.extui %or3A_237 : i1 to i32
          %cond3A_239 = arith.constant 0 : i32
          %cond3A_240 = arith.cmpi ne, %convert_element_type3A_238, %cond3A_239 : i32
          scf.if %cond3A_240 {
            "tpu.trace_start"() <{level = 10 : i32, message = "ep_copy_out"}> : () -> ()
            %rem3A_287 = arith.constant 2 : i32
            %rem3A_288 = arith.remui %while3A_138, %rem3A_287 : i32
            %mul3A_289 = arith.constant 128 : i32
            %mul3A_290 = arith.muli %mul3A_289, %add3A_148 : i32
            %dma_start3A_291 = arith.constant 0 : i32
            %dma_start3A_292 = arith.constant 0 : i32
            %dma_start3A_293 = tpu.memref_slice %run_scoped3A_11[%rem3A_288, %dma_start3A_291, %dma_start3A_292] : memref<2x128x256xf32, #tpu.memory_space<vmem>> -> memref<1x128x256xf32, #tpu.memory_space<vmem>>
            %dma_start3A_294 = tpu.memref_squeeze %dma_start3A_293 : memref<1x128x256xf32, #tpu.memory_space<vmem>> -> memref<128x256xf32, #tpu.memory_space<vmem>>
            %dma_start3A_295 = arith.constant 0 : i32
            %dma_start3A_296 = tpu.memref_slice %arg4[%mul3A_290, %dma_start3A_295] : memref<9216x256xf32, #tpu.memory_space<hbm>> -> memref<128x256xf32, #tpu.memory_space<hbm>>
            %dma_start3A_297 = tpu.memref_slice %run_scoped3A_12[%rem3A_288] : memref<2x!tpu.dma_semaphore, #tpu.memory_space<semaphore_mem>> -> memref<1x!tpu.dma_semaphore, #tpu.memory_space<semaphore_mem>>
            %dma_start3A_298 = tpu.memref_squeeze %dma_start3A_297 : memref<1x!tpu.dma_semaphore, #tpu.memory_space<semaphore_mem>> -> memref<!tpu.dma_semaphore, #tpu.memory_space<semaphore_mem>>
            %dma_start3A_299 = arith.constant 0 : i32
            %dma_start3A_300 = tpu.memref_slice %arg4[%mul3A_290, %dma_start3A_299] : memref<9216x256xf32, #tpu.memory_space<hbm>> -> memref<128x256xf32, #tpu.memory_space<hbm>>
            %dma_start3A_301 = arith.constant 0 : i32
            %dma_start3A_302 = arith.constant 0 : i32
            %dma_start3A_303 = tpu.memref_slice %run_scoped3A_11[%rem3A_288, %dma_start3A_301, %dma_start3A_302] : memref<2x128x256xf32, #tpu.memory_space<vmem>> -> memref<1x128x256xf32, #tpu.memory_space<vmem>>
            %dma_start3A_304 = tpu.memref_squeeze %dma_start3A_303 : memref<1x128x256xf32, #tpu.memory_space<vmem>> -> memref<128x256xf32, #tpu.memory_space<vmem>>
            tpu.enqueue_dma source(%dma_start3A_304 : memref<128x256xf32, #tpu.memory_space<vmem>>) target(%dma_start3A_300 : memref<128x256xf32, #tpu.memory_space<hbm>>) target_semaphore(%dma_start3A_298 : memref<!tpu.dma_semaphore, #tpu.memory_space<semaphore_mem>>)
            "tpu.trace_stop"() : () -> ()
          } else {
          }
          %and3A_241 = arith.constant true
          %and3A_242 = arith.andi %or3A_237, %and3A_241 : i1
          %add3A_243 = arith.constant 1 : i32
          %add3A_244 = arith.addi %while3A_138, %add3A_243 : i32
          %select_n3A_245 = arith.select %and3A_242, %add3A_244, %while3A_138 : i32
          %ne3A_246 = arith.cmpi ne, %add3A_148, %add3A_158 : i32
          %or3A_247 = arith.constant false
          %or3A_248 = arith.ori %or3A_247, %ne3A_246 : i1
          %not3A_249 = arith.constant true
          %not3A_250 = arith.xori %eq3A_144, %not3A_249 : i1
          %and3A_251 = arith.andi %or3A_248, %not3A_250 : i1
          %convert_element_type3A_252 = arith.extui %and3A_251 : i1 to i32
          %cond3A_253 = arith.constant 0 : i32
          %cond3A_254 = arith.cmpi ne, %convert_element_type3A_252, %cond3A_253 : i32
          scf.if %cond3A_254 {
          } else {
          }
          %and3A_255 = arith.constant false
          %and3A_256 = arith.andi %and3A_251, %and3A_255 : i1
          %ne3A_257 = arith.cmpi ne, %add3A_148, %add3A_158 : i32
          %or3A_258 = arith.constant false
          %or3A_259 = arith.ori %or3A_258, %ne3A_257 : i1
          %or3A_260 = arith.constant false
          %or3A_261 = arith.ori %or3A_259, %or3A_260 : i1
          %not3A_262 = arith.constant true
          %not3A_263 = arith.xori %eq3A_144, %not3A_262 : i1
          %and3A_264 = arith.andi %or3A_261, %not3A_263 : i1
          %convert_element_type3A_265 = arith.extui %and3A_264 : i1 to i32
          %cond3A_266 = arith.constant 0 : i32
          %cond3A_267 = arith.cmpi ne, %convert_element_type3A_265, %cond3A_266 : i32
          scf.if %cond3A_267 {
            "tpu.trace_start"() <{level = 10 : i32, message = "ep_wait_out"}> : () -> ()
            %rem3A_287 = arith.constant 2 : i32
            %rem3A_288 = arith.remui %while3A_139, %rem3A_287 : i32
            %mul3A_289 = arith.constant 128 : i32
            %mul3A_290 = arith.muli %mul3A_289, %add3A_158 : i32
            %dma_wait3A = arith.constant 0 : i32
            %dma_wait3A_291 = arith.constant 0 : i32
            %dma_wait3A_292 = tpu.memref_slice %run_scoped3A_11[%rem3A_288, %dma_wait3A, %dma_wait3A_291] : memref<2x128x256xf32, #tpu.memory_space<vmem>> -> memref<1x128x256xf32, #tpu.memory_space<vmem>>
            %dma_wait3A_293 = tpu.memref_squeeze %dma_wait3A_292 : memref<1x128x256xf32, #tpu.memory_space<vmem>> -> memref<128x256xf32, #tpu.memory_space<vmem>>
            %dma_wait3A_294 = arith.constant 0 : i32
            %dma_wait3A_295 = tpu.memref_slice %arg4[%mul3A_290, %dma_wait3A_294] : memref<9216x256xf32, #tpu.memory_space<hbm>> -> memref<128x256xf32, #tpu.memory_space<hbm>>
            %dma_wait3A_296 = tpu.memref_slice %run_scoped3A_12[%rem3A_288] : memref<2x!tpu.dma_semaphore, #tpu.memory_space<semaphore_mem>> -> memref<1x!tpu.dma_semaphore, #tpu.memory_space<semaphore_mem>>
            %dma_wait3A_297 = tpu.memref_squeeze %dma_wait3A_296 : memref<1x!tpu.dma_semaphore, #tpu.memory_space<semaphore_mem>> -> memref<!tpu.dma_semaphore, #tpu.memory_space<semaphore_mem>>
            %dma_wait3A_298 = arith.constant 0 : i32
            %dma_wait3A_299 = tpu.memref_slice %arg4[%mul3A_290, %dma_wait3A_298] : memref<9216x256xf32, #tpu.memory_space<hbm>> -> memref<128x256xf32, #tpu.memory_space<hbm>>
            %dma_wait3A_300 = arith.constant 0 : i32
            %dma_wait3A_301 = arith.constant 0 : i32
            %dma_wait3A_302 = tpu.memref_slice %run_scoped3A_11[%rem3A_288, %dma_wait3A_300, %dma_wait3A_301] : memref<2x128x256xf32, #tpu.memory_space<vmem>> -> memref<1x128x256xf32, #tpu.memory_space<vmem>>
            %dma_wait3A_303 = tpu.memref_squeeze %dma_wait3A_302 : memref<1x128x256xf32, #tpu.memory_space<vmem>> -> memref<128x256xf32, #tpu.memory_space<vmem>>
            tpu.wait_dma2 semaphore(%dma_wait3A_297 : memref<!tpu.dma_semaphore, #tpu.memory_space<semaphore_mem>>) src(%dma_wait3A_303 : memref<128x256xf32, #tpu.memory_space<vmem>>) dst(%dma_wait3A_299 : memref<128x256xf32, #tpu.memory_space<hbm>>)
            "tpu.trace_stop"() : () -> ()
          } else {
          }
          %and3A_268 = arith.constant true
          %and3A_269 = arith.andi %and3A_264, %and3A_268 : i1
          %add3A_270 = arith.constant 1 : i32
          %add3A_271 = arith.addi %while3A_139, %add3A_270 : i32
          %select_n3A_272 = arith.select %and3A_269, %add3A_271, %while3A_139 : i32
          %ne3A_273 = arith.cmpi ne, %add3A_148, %add3A_166 : i32
          %or3A_274 = arith.constant false
          %or3A_275 = arith.ori %or3A_274, %ne3A_273 : i1
          %or3A_276 = arith.ori %or3A_275, %eq3A_147 : i1
          %add3A_277 = arith.constant 1 : i32
          %add3A_278 = arith.addi %while3A_137, %add3A_277 : i32
          %select_n3A_279 = arith.select %or3A_276, %add3A_278, %while3A_137 : i32
          %add3A_280 = arith.constant 1 : i32
          %add3A_281 = arith.addi %while3A_140, %add3A_280 : i32
          %select_n3A_282 = arith.constant true
          %select_n3A_283 = arith.select %select_n3A_282, %add3A_281, %while3A_140 : i32
          %eq3A_284 = arith.cmpi eq, %select_n3A_283, %select_n3A : i32
          %select_n3A_285 = arith.constant 0 : i32
          %select_n3A_286 = arith.select %eq3A_284, %select_n3A_285, %select_n3A_283 : i32
          scf.yield %select_n3A_188, %select_n3A_279, %select_n3A_245, %select_n3A_272, %select_n3A_286 : i32, i32, i32, i32, i32
        }
        %while3A_82 = arith.constant 1 : i32
        %while3A_83:5 = scf.for %while3A_135 = %while3A_79 to %while3A_75 step %while3A_82 iter_args(%while3A_136 = %while3A_81#0, %while3A_137 = %while3A_81#1, %while3A_138 = %while3A_81#2, %while3A_139 = %while3A_81#3, %while3A_140 = %while3A_81#4) -> (i32, i32, i32, i32, i32)  : i32 {
          %mul3A_141 = arith.constant 1 : i32
          %mul3A_142 = arith.muli %mul3A_141, %select_n3A : i32
          %eq3A_143 = arith.constant 0 : i32
          %eq3A_144 = arith.cmpi eq, %while3A_135, %eq3A_143 : i32
          %sub3A_145 = arith.constant 1 : i32
          %sub3A_146 = arith.subi %mul3A_142, %sub3A_145 : i32
          %eq3A_147 = arith.cmpi eq, %while3A_135, %sub3A_146 : i32
          %add3A_148 = arith.addi %while3A_140, %select_n3A_7 : i32
          %sub3A_149 = arith.constant 1 : i32
          %sub3A_150 = arith.subi %while3A_140, %sub3A_149 : i32
          %select_n3A_151 = arith.constant true
          %select_n3A_152 = arith.select %select_n3A_151, %sub3A_150, %while3A_140 : i32
          %eq3A_153 = arith.constant -1 : i32
          %eq3A_154 = arith.cmpi eq, %select_n3A_152, %eq3A_153 : i32
          %sub3A_155 = arith.constant 1 : i32
          %sub3A_156 = arith.subi %select_n3A, %sub3A_155 : i32
          %select_n3A_157 = arith.select %eq3A_154, %sub3A_156, %select_n3A_152 : i32
          %add3A_158 = arith.addi %select_n3A_157, %select_n3A_7 : i32
          %add3A_159 = arith.constant 1 : i32
          %add3A_160 = arith.addi %while3A_140, %add3A_159 : i32
          %select_n3A_161 = arith.constant true
          %select_n3A_162 = arith.select %select_n3A_161, %add3A_160, %while3A_140 : i32
          %eq3A_163 = arith.cmpi eq, %select_n3A_162, %select_n3A : i32
          %select_n3A_164 = arith.constant 0 : i32
          %select_n3A_165 = arith.select %eq3A_163, %select_n3A_164, %select_n3A_162 : i32
          %add3A_166 = arith.addi %select_n3A_165, %select_n3A_7 : i32
          %add3A_167 = arith.constant 1 : i32
          %add3A_168 = arith.addi %select_n3A_165, %add3A_167 : i32
          %select_n3A_169 = arith.constant true
          %select_n3A_170 = arith.select %select_n3A_169, %add3A_168, %select_n3A_165 : i32
          %eq3A_171 = arith.cmpi eq, %select_n3A_170, %select_n3A : i32
          %select_n3A_172 = arith.constant 0 : i32
          %select_n3A_173 = arith.select %eq3A_171, %select_n3A_172, %select_n3A_170 : i32
          %add3A_174 = arith.addi %select_n3A_173, %select_n3A_7 : i32
          %ne3A = arith.cmpi ne, %add3A_148, %add3A_166 : i32
          %or3A = arith.constant false
          %or3A_175 = arith.ori %or3A, %ne3A : i1
          %sub3A_176 = arith.constant 2 : i32
          %sub3A_177 = arith.subi %mul3A_142, %sub3A_176 : i32
          %add3A_178 = arith.constant 1 : i32
          %add3A_179 = arith.addi %sub3A_177, %add3A_178 : i32
          %ge3A = arith.cmpi sge, %while3A_135, %add3A_179 : i32
          %not3A = arith.constant true
          %not3A_180 = arith.xori %ge3A, %not3A : i1
          %and3A = arith.andi %or3A_175, %not3A_180 : i1
          %convert_element_type3A_181 = arith.extui %and3A : i1 to i32
          %cond3A_182 = arith.constant 0 : i32
          %cond3A_183 = arith.cmpi ne, %convert_element_type3A_181, %cond3A_182 : i32
          scf.if %cond3A_183 {
            "tpu.trace_start"() <{level = 10 : i32, message = "ep_copy_in"}> : () -> ()
            %rem3A_287 = arith.constant 2 : i32
            %rem3A_288 = arith.remui %while3A_136, %rem3A_287 : i32
            %mul3A_289 = arith.constant 128 : i32
            %mul3A_290 = arith.muli %mul3A_289, %add3A_166 : i32
            %dma_start3A_291 = arith.constant 0 : i32
            %dma_start3A_292 = arith.constant 0 : i32
            %dma_start3A_293 = tpu.memref_slice %run_scoped3A[%rem3A_288, %dma_start3A_291, %dma_start3A_292] : memref<2x1x128xi32, #tpu.memory_space<vmem>> -> memref<1x1x128xi32, #tpu.memory_space<vmem>>
            %dma_start3A_294 = tpu.memref_squeeze %dma_start3A_293 : memref<1x1x128xi32, #tpu.memory_space<vmem>> -> memref<1x128xi32, #tpu.memory_space<vmem>>
            %dma_start3A_295 = arith.constant 0 : i32
            %dma_start3A_296 = tpu.memref_slice %arg3[%dma_start3A_295, %mul3A_290] : memref<1x9216xi32, #tpu.memory_space<hbm>> -> memref<1x128xi32, #tpu.memory_space<hbm>>
            %dma_start3A_297 = tpu.memref_slice %run_scoped3A_10[%rem3A_288] : memref<2x!tpu.dma_semaphore, #tpu.memory_space<semaphore_mem>> -> memref<1x!tpu.dma_semaphore, #tpu.memory_space<semaphore_mem>>
            %dma_start3A_298 = tpu.memref_squeeze %dma_start3A_297 : memref<1x!tpu.dma_semaphore, #tpu.memory_space<semaphore_mem>> -> memref<!tpu.dma_semaphore, #tpu.memory_space<semaphore_mem>>
            %dma_start3A_299 = arith.constant 0 : i32
            %dma_start3A_300 = arith.constant 0 : i32
            %dma_start3A_301 = tpu.memref_slice %run_scoped3A[%rem3A_288, %dma_start3A_299, %dma_start3A_300] : memref<2x1x128xi32, #tpu.memory_space<vmem>> -> memref<1x1x128xi32, #tpu.memory_space<vmem>>
            %dma_start3A_302 = tpu.memref_squeeze %dma_start3A_301 : memref<1x1x128xi32, #tpu.memory_space<vmem>> -> memref<1x128xi32, #tpu.memory_space<vmem>>
            %dma_start3A_303 = arith.constant 0 : i32
            %dma_start3A_304 = tpu.memref_slice %arg3[%dma_start3A_303, %mul3A_290] : memref<1x9216xi32, #tpu.memory_space<hbm>> -> memref<1x128xi32, #tpu.memory_space<hbm>>
            tpu.enqueue_dma source(%dma_start3A_304 : memref<1x128xi32, #tpu.memory_space<hbm>>) target(%dma_start3A_302 : memref<1x128xi32, #tpu.memory_space<vmem>>) target_semaphore(%dma_start3A_298 : memref<!tpu.dma_semaphore, #tpu.memory_space<semaphore_mem>>)
            "tpu.trace_stop"() : () -> ()
          } else {
          }
          %and3A_184 = arith.constant true
          %and3A_185 = arith.andi %and3A, %and3A_184 : i1
          %add3A_186 = arith.constant 1 : i32
          %add3A_187 = arith.addi %while3A_136, %add3A_186 : i32
          %select_n3A_188 = arith.select %and3A_185, %add3A_187, %while3A_136 : i32
          %ne3A_189 = arith.cmpi ne, %add3A_148, %add3A_166 : i32
          %or3A_190 = arith.constant false
          %or3A_191 = arith.ori %or3A_190, %ne3A_189 : i1
          %or3A_192 = arith.constant false
          %or3A_193 = arith.ori %or3A_191, %or3A_192 : i1
          %sub3A_194 = arith.constant 2 : i32
          %sub3A_195 = arith.subi %mul3A_142, %sub3A_194 : i32
          %add3A_196 = arith.constant 1 : i32
          %add3A_197 = arith.addi %sub3A_195, %add3A_196 : i32
          %ge3A_198 = arith.cmpi sge, %while3A_135, %add3A_197 : i32
          %not3A_199 = arith.constant true
          %not3A_200 = arith.xori %ge3A_198, %not3A_199 : i1
          %and3A_201 = arith.andi %or3A_193, %not3A_200 : i1
          %ne3A_202 = arith.cmpi ne, %add3A_148, %add3A_158 : i32
          %or3A_203 = arith.constant false
          %or3A_204 = arith.ori %or3A_203, %ne3A_202 : i1
          %or3A_205 = arith.ori %or3A_204, %eq3A_144 : i1
          %convert_element_type3A_206 = arith.extui %or3A_205 : i1 to i32
          %cond3A_207 = arith.constant 0 : i32
          %cond3A_208 = arith.cmpi ne, %convert_element_type3A_206, %cond3A_207 : i32
          scf.if %cond3A_208 {
            "tpu.trace_start"() <{level = 10 : i32, message = "ep_wait_in"}> : () -> ()
            %mul3A_287 = arith.constant 128 : i32
            %mul3A_288 = arith.muli %mul3A_287, %add3A_148 : i32
            %rem3A_289 = arith.constant 2 : i32
            %rem3A_290 = arith.remui %while3A_137, %rem3A_289 : i32
            %dma_wait3A = arith.constant 0 : i32
            %dma_wait3A_291 = arith.constant 0 : i32
            %dma_wait3A_292 = tpu.memref_slice %run_scoped3A[%rem3A_290, %dma_wait3A, %dma_wait3A_291] : memref<2x1x128xi32, #tpu.memory_space<vmem>> -> memref<1x1x128xi32, #tpu.memory_space<vmem>>
            %dma_wait3A_293 = tpu.memref_squeeze %dma_wait3A_292 : memref<1x1x128xi32, #tpu.memory_space<vmem>> -> memref<1x128xi32, #tpu.memory_space<vmem>>
            %dma_wait3A_294 = arith.constant 0 : i32
            %dma_wait3A_295 = tpu.memref_slice %arg3[%dma_wait3A_294, %mul3A_288] : memref<1x9216xi32, #tpu.memory_space<hbm>> -> memref<1x128xi32, #tpu.memory_space<hbm>>
            %dma_wait3A_296 = tpu.memref_slice %run_scoped3A_10[%rem3A_290] : memref<2x!tpu.dma_semaphore, #tpu.memory_space<semaphore_mem>> -> memref<1x!tpu.dma_semaphore, #tpu.memory_space<semaphore_mem>>
            %dma_wait3A_297 = tpu.memref_squeeze %dma_wait3A_296 : memref<1x!tpu.dma_semaphore, #tpu.memory_space<semaphore_mem>> -> memref<!tpu.dma_semaphore, #tpu.memory_space<semaphore_mem>>
            %dma_wait3A_298 = arith.constant 0 : i32
            %dma_wait3A_299 = arith.constant 0 : i32
            %dma_wait3A_300 = tpu.memref_slice %run_scoped3A[%rem3A_290, %dma_wait3A_298, %dma_wait3A_299] : memref<2x1x128xi32, #tpu.memory_space<vmem>> -> memref<1x1x128xi32, #tpu.memory_space<vmem>>
            %dma_wait3A_301 = tpu.memref_squeeze %dma_wait3A_300 : memref<1x1x128xi32, #tpu.memory_space<vmem>> -> memref<1x128xi32, #tpu.memory_space<vmem>>
            %dma_wait3A_302 = arith.constant 0 : i32
            %dma_wait3A_303 = tpu.memref_slice %arg3[%dma_wait3A_302, %mul3A_288] : memref<1x9216xi32, #tpu.memory_space<hbm>> -> memref<1x128xi32, #tpu.memory_space<hbm>>
            tpu.wait_dma2 semaphore(%dma_wait3A_297 : memref<!tpu.dma_semaphore, #tpu.memory_space<semaphore_mem>>) src(%dma_wait3A_303 : memref<1x128xi32, #tpu.memory_space<hbm>>) dst(%dma_wait3A_301 : memref<1x128xi32, #tpu.memory_space<vmem>>)
            "tpu.trace_stop"() : () -> ()
          } else {
          }
          %ne3A_209 = arith.cmpi ne, %add3A_148, %add3A_158 : i32
          %or3A_210 = arith.constant false
          %or3A_211 = arith.ori %or3A_210, %ne3A_209 : i1
          %or3A_212 = arith.constant false
          %or3A_213 = arith.ori %or3A_211, %or3A_212 : i1
          %or3A_214 = arith.ori %or3A_213, %eq3A_144 : i1
          %convert_element_type3A_215 = arith.extui %or3A_214 : i1 to i32
          %cond3A_216 = arith.constant 0 : i32
          %cond3A_217 = arith.cmpi ne, %convert_element_type3A_215, %cond3A_216 : i32
          scf.if %cond3A_217 {
          } else {
          }
          %rem3A_218 = arith.constant 2 : i32
          %rem3A_219 = arith.remui %while3A_137, %rem3A_218 : i32
          %rem3A_220 = arith.constant 2 : i32
          %rem3A_221 = arith.remui %while3A_138, %rem3A_220 : i32
          %run_scoped3A_222 = arith.constant 0 : i32
          "tpu.trace_start"() <{level = 10 : i32, message = "ep_run_kernel"}> : () -> ()
          "tpu.region"() ({
            %run_scoped3A_287 = tpu.sem_alloc : memref<!tpu.dma_semaphore, #tpu.memory_space<semaphore_mem>>
            %dma_start3A_288 = arith.constant 0 : i32
            %dma_start3A_289 = arith.constant 0 : i32
            %dma_start3A_290 = tpu.memref_slice %run_scoped3A_11[%rem3A_221, %dma_start3A_288, %dma_start3A_289] : memref<2x128x256xf32, #tpu.memory_space<vmem>> -> memref<1x128x256xf32, #tpu.memory_space<vmem>>
            %dma_start3A_291 = tpu.memref_squeeze %dma_start3A_290 : memref<1x128x256xf32, #tpu.memory_space<vmem>> -> memref<128x256xf32, #tpu.memory_space<vmem>>
            %dma_start3A_292 = arith.constant 0 : i32
            %dma_start3A_293 = arith.constant 0 : i32
            %dma_start3A_294 = tpu.memref_slice %run_scoped3A[%rem3A_219, %dma_start3A_292, %dma_start3A_293] : memref<2x1x128xi32, #tpu.memory_space<vmem>> -> memref<1x1x128xi32, #tpu.memory_space<vmem>>
            %dma_start3A_295 = tpu.memref_squeeze %dma_start3A_294 : memref<1x1x128xi32, #tpu.memory_space<vmem>> -> memref<1x128xi32, #tpu.memory_space<vmem>>
            %dma_start3A_296 = arith.constant 0 : i32
            %dma_start3A_297 = tpu.memref_slice %dma_start3A_295[%run_scoped3A_222, %dma_start3A_296] : memref<1x128xi32, #tpu.memory_space<vmem>> -> memref<1x128xi32, #tpu.memory_space<vmem>>
            %dma_start3A_298 = tpu.memref_squeeze %dma_start3A_297 : memref<1x128xi32, #tpu.memory_space<vmem>> -> memref<128xi32, #tpu.memory_space<vmem>>
            %dma_start3A_299 = arith.constant 0 : i32
            %dma_start3A_300 = arith.constant 0 : i32
            %dma_start3A_301 = tpu.memref_slice %arg2[%dma_start3A_299, %dma_start3A_300] : memref<8192x256xf32, #tpu.memory_space<hbm>> -> memref<8192x256xf32, #tpu.memory_space<hbm>>
            tpu.enqueue_indirect_dma source(%dma_start3A_301 : memref<8192x256xf32, #tpu.memory_space<hbm>>) target(%dma_start3A_291 : memref<128x256xf32, #tpu.memory_space<vmem>>) offsets(%dma_start3A_298 : memref<128xi32, #tpu.memory_space<vmem>>) semaphore(%run_scoped3A_287 : memref<!tpu.dma_semaphore, #tpu.memory_space<semaphore_mem>>)
            %dma_wait3A = arith.constant 0 : i32
            %dma_wait3A_302 = arith.constant 0 : i32
            %dma_wait3A_303 = tpu.memref_slice %run_scoped3A_11[%rem3A_221, %dma_wait3A, %dma_wait3A_302] : memref<2x128x256xf32, #tpu.memory_space<vmem>> -> memref<1x128x256xf32, #tpu.memory_space<vmem>>
            %dma_wait3A_304 = tpu.memref_squeeze %dma_wait3A_303 : memref<1x128x256xf32, #tpu.memory_space<vmem>> -> memref<128x256xf32, #tpu.memory_space<vmem>>
            %dma_wait3A_305 = arith.constant 0 : i32
            %dma_wait3A_306 = arith.constant 0 : i32
            %dma_wait3A_307 = tpu.memref_slice %run_scoped3A[%rem3A_219, %dma_wait3A_305, %dma_wait3A_306] : memref<2x1x128xi32, #tpu.memory_space<vmem>> -> memref<1x1x128xi32, #tpu.memory_space<vmem>>
            %dma_wait3A_308 = tpu.memref_squeeze %dma_wait3A_307 : memref<1x1x128xi32, #tpu.memory_space<vmem>> -> memref<1x128xi32, #tpu.memory_space<vmem>>
            %dma_wait3A_309 = arith.constant 0 : i32
            %dma_wait3A_310 = tpu.memref_slice %dma_wait3A_308[%run_scoped3A_222, %dma_wait3A_309] : memref<1x128xi32, #tpu.memory_space<vmem>> -> memref<1x128xi32, #tpu.memory_space<vmem>>
            %dma_wait3A_311 = tpu.memref_squeeze %dma_wait3A_310 : memref<1x128xi32, #tpu.memory_space<vmem>> -> memref<128xi32, #tpu.memory_space<vmem>>
            %dma_wait3A_312 = arith.constant 0 : i32
            %dma_wait3A_313 = arith.constant 0 : i32
            %dma_wait3A_314 = tpu.memref_slice %arg2[%dma_wait3A_312, %dma_wait3A_313] : memref<8192x256xf32, #tpu.memory_space<hbm>> -> memref<8192x256xf32, #tpu.memory_space<hbm>>
            tpu.wait_indirect_dma semaphore(%run_scoped3A_287 : memref<!tpu.dma_semaphore, #tpu.memory_space<semaphore_mem>>) src(%dma_wait3A_314 : memref<8192x256xf32, #tpu.memory_space<hbm>>) dst(%dma_wait3A_304 : memref<128x256xf32, #tpu.memory_space<vmem>>)
            tpu.yield
          }) : () -> ()
          "tpu.trace_stop"() : () -> ()
          %ne3A_223 = arith.cmpi ne, %add3A_148, %add3A_166 : i32
          %or3A_224 = arith.constant false
          %or3A_225 = arith.ori %or3A_224, %ne3A_223 : i1
          %or3A_226 = arith.ori %or3A_225, %eq3A_147 : i1
          %convert_element_type3A_227 = arith.extui %or3A_226 : i1 to i32
          %cond3A_228 = arith.constant 0 : i32
          %cond3A_229 = arith.cmpi ne, %convert_element_type3A_227, %cond3A_228 : i32
          scf.if %cond3A_229 {
          } else {
          }
          %and3A_230 = arith.constant false
          %and3A_231 = arith.andi %or3A_226, %and3A_230 : i1
          %ne3A_232 = arith.cmpi ne, %add3A_148, %add3A_166 : i32
          %or3A_233 = arith.constant false
          %or3A_234 = arith.ori %or3A_233, %ne3A_232 : i1
          %or3A_235 = arith.constant false
          %or3A_236 = arith.ori %or3A_234, %or3A_235 : i1
          %or3A_237 = arith.ori %or3A_236, %eq3A_147 : i1
          %convert_element_type3A_238 = arith.extui %or3A_237 : i1 to i32
          %cond3A_239 = arith.constant 0 : i32
          %cond3A_240 = arith.cmpi ne, %convert_element_type3A_238, %cond3A_239 : i32
          scf.if %cond3A_240 {
            "tpu.trace_start"() <{level = 10 : i32, message = "ep_copy_out"}> : () -> ()
            %rem3A_287 = arith.constant 2 : i32
            %rem3A_288 = arith.remui %while3A_138, %rem3A_287 : i32
            %mul3A_289 = arith.constant 128 : i32
            %mul3A_290 = arith.muli %mul3A_289, %add3A_148 : i32
            %dma_start3A_291 = arith.constant 0 : i32
            %dma_start3A_292 = arith.constant 0 : i32
            %dma_start3A_293 = tpu.memref_slice %run_scoped3A_11[%rem3A_288, %dma_start3A_291, %dma_start3A_292] : memref<2x128x256xf32, #tpu.memory_space<vmem>> -> memref<1x128x256xf32, #tpu.memory_space<vmem>>
            %dma_start3A_294 = tpu.memref_squeeze %dma_start3A_293 : memref<1x128x256xf32, #tpu.memory_space<vmem>> -> memref<128x256xf32, #tpu.memory_space<vmem>>
            %dma_start3A_295 = arith.constant 0 : i32
            %dma_start3A_296 = tpu.memref_slice %arg4[%mul3A_290, %dma_start3A_295] : memref<9216x256xf32, #tpu.memory_space<hbm>> -> memref<128x256xf32, #tpu.memory_space<hbm>>
            %dma_start3A_297 = tpu.memref_slice %run_scoped3A_12[%rem3A_288] : memref<2x!tpu.dma_semaphore, #tpu.memory_space<semaphore_mem>> -> memref<1x!tpu.dma_semaphore, #tpu.memory_space<semaphore_mem>>
            %dma_start3A_298 = tpu.memref_squeeze %dma_start3A_297 : memref<1x!tpu.dma_semaphore, #tpu.memory_space<semaphore_mem>> -> memref<!tpu.dma_semaphore, #tpu.memory_space<semaphore_mem>>
            %dma_start3A_299 = arith.constant 0 : i32
            %dma_start3A_300 = tpu.memref_slice %arg4[%mul3A_290, %dma_start3A_299] : memref<9216x256xf32, #tpu.memory_space<hbm>> -> memref<128x256xf32, #tpu.memory_space<hbm>>
            %dma_start3A_301 = arith.constant 0 : i32
            %dma_start3A_302 = arith.constant 0 : i32
            %dma_start3A_303 = tpu.memref_slice %run_scoped3A_11[%rem3A_288, %dma_start3A_301, %dma_start3A_302] : memref<2x128x256xf32, #tpu.memory_space<vmem>> -> memref<1x128x256xf32, #tpu.memory_space<vmem>>
            %dma_start3A_304 = tpu.memref_squeeze %dma_start3A_303 : memref<1x128x256xf32, #tpu.memory_space<vmem>> -> memref<128x256xf32, #tpu.memory_space<vmem>>
            tpu.enqueue_dma source(%dma_start3A_304 : memref<128x256xf32, #tpu.memory_space<vmem>>) target(%dma_start3A_300 : memref<128x256xf32, #tpu.memory_space<hbm>>) target_semaphore(%dma_start3A_298 : memref<!tpu.dma_semaphore, #tpu.memory_space<semaphore_mem>>)
            "tpu.trace_stop"() : () -> ()
          } else {
          }
          %and3A_241 = arith.constant true
          %and3A_242 = arith.andi %or3A_237, %and3A_241 : i1
          %add3A_243 = arith.constant 1 : i32
          %add3A_244 = arith.addi %while3A_138, %add3A_243 : i32
          %select_n3A_245 = arith.select %and3A_242, %add3A_244, %while3A_138 : i32
          %ne3A_246 = arith.cmpi ne, %add3A_148, %add3A_158 : i32
          %or3A_247 = arith.constant false
          %or3A_248 = arith.ori %or3A_247, %ne3A_246 : i1
          %not3A_249 = arith.constant true
          %not3A_250 = arith.xori %eq3A_144, %not3A_249 : i1
          %and3A_251 = arith.andi %or3A_248, %not3A_250 : i1
          %convert_element_type3A_252 = arith.extui %and3A_251 : i1 to i32
          %cond3A_253 = arith.constant 0 : i32
          %cond3A_254 = arith.cmpi ne, %convert_element_type3A_252, %cond3A_253 : i32
          scf.if %cond3A_254 {
          } else {
          }
          %and3A_255 = arith.constant false
          %and3A_256 = arith.andi %and3A_251, %and3A_255 : i1
          %ne3A_257 = arith.cmpi ne, %add3A_148, %add3A_158 : i32
          %or3A_258 = arith.constant false
          %or3A_259 = arith.ori %or3A_258, %ne3A_257 : i1
          %or3A_260 = arith.constant false
          %or3A_261 = arith.ori %or3A_259, %or3A_260 : i1
          %not3A_262 = arith.constant true
          %not3A_263 = arith.xori %eq3A_144, %not3A_262 : i1
          %and3A_264 = arith.andi %or3A_261, %not3A_263 : i1
          %convert_element_type3A_265 = arith.extui %and3A_264 : i1 to i32
          %cond3A_266 = arith.constant 0 : i32
          %cond3A_267 = arith.cmpi ne, %convert_element_type3A_265, %cond3A_266 : i32
          scf.if %cond3A_267 {
            "tpu.trace_start"() <{level = 10 : i32, message = "ep_wait_out"}> : () -> ()
            %rem3A_287 = arith.constant 2 : i32
            %rem3A_288 = arith.remui %while3A_139, %rem3A_287 : i32
            %mul3A_289 = arith.constant 128 : i32
            %mul3A_290 = arith.muli %mul3A_289, %add3A_158 : i32
            %dma_wait3A = arith.constant 0 : i32
            %dma_wait3A_291 = arith.constant 0 : i32
            %dma_wait3A_292 = tpu.memref_slice %run_scoped3A_11[%rem3A_288, %dma_wait3A, %dma_wait3A_291] : memref<2x128x256xf32, #tpu.memory_space<vmem>> -> memref<1x128x256xf32, #tpu.memory_space<vmem>>
            %dma_wait3A_293 = tpu.memref_squeeze %dma_wait3A_292 : memref<1x128x256xf32, #tpu.memory_space<vmem>> -> memref<128x256xf32, #tpu.memory_space<vmem>>
            %dma_wait3A_294 = arith.constant 0 : i32
            %dma_wait3A_295 = tpu.memref_slice %arg4[%mul3A_290, %dma_wait3A_294] : memref<9216x256xf32, #tpu.memory_space<hbm>> -> memref<128x256xf32, #tpu.memory_space<hbm>>
            %dma_wait3A_296 = tpu.memref_slice %run_scoped3A_12[%rem3A_288] : memref<2x!tpu.dma_semaphore, #tpu.memory_space<semaphore_mem>> -> memref<1x!tpu.dma_semaphore, #tpu.memory_space<semaphore_mem>>
            %dma_wait3A_297 = tpu.memref_squeeze %dma_wait3A_296 : memref<1x!tpu.dma_semaphore, #tpu.memory_space<semaphore_mem>> -> memref<!tpu.dma_semaphore, #tpu.memory_space<semaphore_mem>>
            %dma_wait3A_298 = arith.constant 0 : i32
            %dma_wait3A_299 = tpu.memref_slice %arg4[%mul3A_290, %dma_wait3A_298] : memref<9216x256xf32, #tpu.memory_space<hbm>> -> memref<128x256xf32, #tpu.memory_space<hbm>>
            %dma_wait3A_300 = arith.constant 0 : i32
            %dma_wait3A_301 = arith.constant 0 : i32
            %dma_wait3A_302 = tpu.memref_slice %run_scoped3A_11[%rem3A_288, %dma_wait3A_300, %dma_wait3A_301] : memref<2x128x256xf32, #tpu.memory_space<vmem>> -> memref<1x128x256xf32, #tpu.memory_space<vmem>>
            %dma_wait3A_303 = tpu.memref_squeeze %dma_wait3A_302 : memref<1x128x256xf32, #tpu.memory_space<vmem>> -> memref<128x256xf32, #tpu.memory_space<vmem>>
            tpu.wait_dma2 semaphore(%dma_wait3A_297 : memref<!tpu.dma_semaphore, #tpu.memory_space<semaphore_mem>>) src(%dma_wait3A_303 : memref<128x256xf32, #tpu.memory_space<vmem>>) dst(%dma_wait3A_299 : memref<128x256xf32, #tpu.memory_space<hbm>>)
            "tpu.trace_stop"() : () -> ()
          } else {
          }
          %and3A_268 = arith.constant true
          %and3A_269 = arith.andi %and3A_264, %and3A_268 : i1
          %add3A_270 = arith.constant 1 : i32
          %add3A_271 = arith.addi %while3A_139, %add3A_270 : i32
          %select_n3A_272 = arith.select %and3A_269, %add3A_271, %while3A_139 : i32
          %ne3A_273 = arith.cmpi ne, %add3A_148, %add3A_166 : i32
          %or3A_274 = arith.constant false
          %or3A_275 = arith.ori %or3A_274, %ne3A_273 : i1
          %or3A_276 = arith.ori %or3A_275, %eq3A_147 : i1
          %add3A_277 = arith.constant 1 : i32
          %add3A_278 = arith.addi %while3A_137, %add3A_277 : i32
          %select_n3A_279 = arith.select %or3A_276, %add3A_278, %while3A_137 : i32
          %add3A_280 = arith.constant 1 : i32
          %add3A_281 = arith.addi %while3A_140, %add3A_280 : i32
          %select_n3A_282 = arith.constant true
          %select_n3A_283 = arith.select %select_n3A_282, %add3A_281, %while3A_140 : i32
          %eq3A_284 = arith.cmpi eq, %select_n3A_283, %select_n3A : i32
          %select_n3A_285 = arith.constant 0 : i32
          %select_n3A_286 = arith.select %eq3A_284, %select_n3A_285, %select_n3A_283 : i32
          scf.yield %select_n3A_188, %select_n3A_279, %select_n3A_245, %select_n3A_272, %select_n3A_286 : i32, i32, i32, i32, i32
        }
        %sub3A_84 = arith.constant 1 : i32
        %sub3A_85 = arith.subi %while3A_83#4, %sub3A_84 : i32
        %select_n3A_86 = arith.constant true
        %select_n3A_87 = arith.select %select_n3A_86, %sub3A_85, %while3A_83#4 : i32
        %eq3A_88 = arith.constant -1 : i32
        %eq3A_89 = arith.cmpi eq, %select_n3A_87, %eq3A_88 : i32
        %sub3A_90 = arith.constant 1 : i32
        %sub3A_91 = arith.subi %select_n3A, %sub3A_90 : i32
        %select_n3A_92 = arith.select %eq3A_89, %sub3A_91, %select_n3A_87 : i32
        %sub3A_93 = arith.constant 1 : i32
        %sub3A_94 = arith.subi %mul3A_9, %sub3A_93 : i32
        %mul3A_95 = arith.constant 1 : i32
        %mul3A_96 = arith.muli %mul3A_95, %select_n3A : i32
        %eq3A_97 = arith.constant 0 : i32
        %eq3A_98 = arith.cmpi eq, %sub3A_94, %eq3A_97 : i32
        %sub3A_99 = arith.constant 1 : i32
        %sub3A_100 = arith.subi %mul3A_96, %sub3A_99 : i32
        %eq3A_101 = arith.cmpi eq, %sub3A_94, %sub3A_100 : i32
        %add3A_102 = arith.addi %select_n3A_92, %select_n3A_7 : i32
        %sub3A_103 = arith.constant 1 : i32
        %sub3A_104 = arith.subi %select_n3A_92, %sub3A_103 : i32
        %select_n3A_105 = arith.constant true
        %select_n3A_106 = arith.select %select_n3A_105, %sub3A_104, %select_n3A_92 : i32
        %eq3A_107 = arith.constant -1 : i32
        %eq3A_108 = arith.cmpi eq, %select_n3A_106, %eq3A_107 : i32
        %sub3A_109 = arith.constant 1 : i32
        %sub3A_110 = arith.subi %select_n3A, %sub3A_109 : i32
        %select_n3A_111 = arith.select %eq3A_108, %sub3A_110, %select_n3A_106 : i32
        %add3A_112 = arith.addi %select_n3A_111, %select_n3A_7 : i32
        %add3A_113 = arith.constant 1 : i32
        %add3A_114 = arith.addi %select_n3A_92, %add3A_113 : i32
        %select_n3A_115 = arith.constant true
        %select_n3A_116 = arith.select %select_n3A_115, %add3A_114, %select_n3A_92 : i32
        %eq3A_117 = arith.cmpi eq, %select_n3A_116, %select_n3A : i32
        %select_n3A_118 = arith.constant 0 : i32
        %select_n3A_119 = arith.select %eq3A_117, %select_n3A_118, %select_n3A_116 : i32
        %add3A_120 = arith.addi %select_n3A_119, %select_n3A_7 : i32
        %add3A_121 = arith.constant 1 : i32
        %add3A_122 = arith.addi %select_n3A_119, %add3A_121 : i32
        %select_n3A_123 = arith.constant true
        %select_n3A_124 = arith.select %select_n3A_123, %add3A_122, %select_n3A_119 : i32
        %eq3A_125 = arith.cmpi eq, %select_n3A_124, %select_n3A : i32
        %select_n3A_126 = arith.constant 0 : i32
        %select_n3A_127 = arith.select %eq3A_125, %select_n3A_126, %select_n3A_124 : i32
        %add3A_128 = arith.addi %select_n3A_127, %select_n3A_7 : i32
        %convert_element_type3A_129 = arith.extui %eq3A_101 : i1 to i32
        %cond3A_130 = arith.constant 0 : i32
        %cond3A_131 = arith.cmpi ne, %convert_element_type3A_129, %cond3A_130 : i32
        scf.if %cond3A_131 {
        } else {
        }
        %convert_element_type3A_132 = arith.extui %eq3A_101 : i1 to i32
        %cond3A_133 = arith.constant 0 : i32
        %cond3A_134 = arith.cmpi ne, %convert_element_type3A_132, %cond3A_133 : i32
        scf.if %cond3A_134 {
          "tpu.trace_start"() <{level = 10 : i32, message = "ep_finalize"}> : () -> ()
          %rem3A_135 = arith.constant 2 : i32
          %rem3A_136 = arith.remui %while3A_83#3, %rem3A_135 : i32
          %mul3A_137 = arith.constant 128 : i32
          %mul3A_138 = arith.muli %mul3A_137, %add3A_102 : i32
          %dma_wait3A = arith.constant 0 : i32
          %dma_wait3A_139 = arith.constant 0 : i32
          %dma_wait3A_140 = tpu.memref_slice %run_scoped3A_11[%rem3A_136, %dma_wait3A, %dma_wait3A_139] : memref<2x128x256xf32, #tpu.memory_space<vmem>> -> memref<1x128x256xf32, #tpu.memory_space<vmem>>
          %dma_wait3A_141 = tpu.memref_squeeze %dma_wait3A_140 : memref<1x128x256xf32, #tpu.memory_space<vmem>> -> memref<128x256xf32, #tpu.memory_space<vmem>>
          %dma_wait3A_142 = arith.constant 0 : i32
          %dma_wait3A_143 = tpu.memref_slice %arg4[%mul3A_138, %dma_wait3A_142] : memref<9216x256xf32, #tpu.memory_space<hbm>> -> memref<128x256xf32, #tpu.memory_space<hbm>>
          %dma_wait3A_144 = tpu.memref_slice %run_scoped3A_12[%rem3A_136] : memref<2x!tpu.dma_semaphore, #tpu.memory_space<semaphore_mem>> -> memref<1x!tpu.dma_semaphore, #tpu.memory_space<semaphore_mem>>
          %dma_wait3A_145 = tpu.memref_squeeze %dma_wait3A_144 : memref<1x!tpu.dma_semaphore, #tpu.memory_space<semaphore_mem>> -> memref<!tpu.dma_semaphore, #tpu.memory_space<semaphore_mem>>
          %dma_wait3A_146 = arith.constant 0 : i32
          %dma_wait3A_147 = tpu.memref_slice %arg4[%mul3A_138, %dma_wait3A_146] : memref<9216x256xf32, #tpu.memory_space<hbm>> -> memref<128x256xf32, #tpu.memory_space<hbm>>
          %dma_wait3A_148 = arith.constant 0 : i32
          %dma_wait3A_149 = arith.constant 0 : i32
          %dma_wait3A_150 = tpu.memref_slice %run_scoped3A_11[%rem3A_136, %dma_wait3A_148, %dma_wait3A_149] : memref<2x128x256xf32, #tpu.memory_space<vmem>> -> memref<1x128x256xf32, #tpu.memory_space<vmem>>
          %dma_wait3A_151 = tpu.memref_squeeze %dma_wait3A_150 : memref<1x128x256xf32, #tpu.memory_space<vmem>> -> memref<128x256xf32, #tpu.memory_space<vmem>>
          tpu.wait_dma2 semaphore(%dma_wait3A_145 : memref<!tpu.dma_semaphore, #tpu.memory_space<semaphore_mem>>) src(%dma_wait3A_151 : memref<128x256xf32, #tpu.memory_space<vmem>>) dst(%dma_wait3A_147 : memref<128x256xf32, #tpu.memory_space<hbm>>)
          "tpu.trace_stop"() : () -> ()
        } else {
        }
      } else {
      }
      tpu.yield
    }) : () -> ()
    return
  }
}

module attributes {stable_mosaic.version = 14 : i64} {
  func.func @_vq_kernel(%arg0: i32, %arg1: memref<256x768xf32, #tpu.memory_space<vmem>>, %arg2: memref<768x256xf32, #tpu.memory_space<vmem>>, %arg3: memref<1x256xf32, #tpu.memory_space<vmem>>, %arg4: memref<256x8192xbf16, #tpu.memory_space<vmem>>, %arg5: memref<256x256xf32, #tpu.memory_space<vmem>>, %arg6: memref<256x8192xf32, #tpu.memory_space<vmem>>, %arg7: memref<1x1x256xi32, #tpu.memory_space<vmem>>) attributes {dimension_semantics = [#tpu.dimension_semantics<arbitrary>], iteration_bounds = array<i64: 36>, scalar_prefetch = 0 : i64, scratch_operands = 0 : i64, tpu.core_type = #tpu.core_type<tc>, window_params = [{transform_indices = @transform_0, window_bounds = array<i64: 256, 768>}, {pipeline_mode = #tpu.pipeline_mode<synchronous>, transform_indices = @transform_1, window_bounds = array<i64: 768, 256>}, {pipeline_mode = #tpu.pipeline_mode<synchronous>, transform_indices = @transform_2, window_bounds = array<i64: 1, 256>}, {pipeline_mode = #tpu.pipeline_mode<synchronous>, transform_indices = @transform_3, window_bounds = array<i64: 256, 8192>}, {transform_indices = @transform_4, window_bounds = array<i64: 256, 256>}, {transform_indices = @transform_5, window_bounds = array<i64: 256, 8192>}, {transform_indices = @transform_6, window_bounds = array<i64: 1, 1, 256>}]} {
    %get3A = arith.constant 0 : index
    %get3A_0 = arith.constant 0 : index
    %get3A_1 = vector.load %arg1[%get3A, %get3A_0] : memref<256x768xf32, #tpu.memory_space<vmem>>, vector<256x768xf32>
    %convert_element_type3A = arith.truncf %get3A_1 : vector<256x768xf32> to vector<256x768xbf16>
    %get3A_2 = arith.constant 0 : index
    %get3A_3 = arith.constant 0 : index
    %get3A_4 = vector.load %arg2[%get3A_2, %get3A_3] : memref<768x256xf32, #tpu.memory_space<vmem>>, vector<768x256xf32>
    %convert_element_type3A_5 = arith.truncf %get3A_4 : vector<768x256xf32> to vector<768x256xbf16>
    %dot_general3A = arith.constant dense<0.000000e+00> : vector<256x256xf32>
    %dot_general3A_6 = tpu.matmul %convert_element_type3A, %convert_element_type3A_5, %dot_general3A {dimension_numbers = #tpu.dot_dimension_numbers<[1], [0], [0], [1], [0, 0, 1, 1], [], []>, transpose_lhs_hint = false} : vector<256x768xbf16>, vector<768x256xbf16>, vector<256x256xf32> -> vector<256x256xf32>
    %get3A_7 = arith.constant 0 : index
    %get3A_8 = arith.constant 0 : index
    %get3A_9 = vector.load %arg3[%get3A_7, %get3A_8] : memref<1x256xf32, #tpu.memory_space<vmem>>, vector<1x256xf32>
    %add3A = vector.broadcast %get3A_9 : vector<1x256xf32> to vector<256x256xf32>
    %add3A_10 = arith.addf %dot_general3A_6, %add3A : vector<256x256xf32>
    %swap3A = arith.constant 0 : index
    %swap3A_11 = arith.constant 0 : index
    %swap3A_12 = vector.load %arg5[%swap3A, %swap3A_11] : memref<256x256xf32, #tpu.memory_space<vmem>>, vector<256x256xf32>
    tpu.vector_store %arg5[%swap3A, %swap3A_11], %add3A_10 {strides = array<i32>} : memref<256x256xf32, #tpu.memory_space<vmem>>, vector<256x256xf32>,
    %mul3A = arith.mulf %add3A_10, %add3A_10 : vector<256x256xf32>
    %reduce_sum3A = arith.constant dense<0.000000e+00> : vector<256xf32>
    %reduce_sum3A_13 = vector.multi_reduction <add>, %mul3A, %reduce_sum3A [1] : vector<256x256xf32> to vector<256xf32>
    %broadcast_in_dim3A = vector.shape_cast %reduce_sum3A_13 : vector<256xf32> to vector<256x1xf32>
    %sqrt3A = math.sqrt %broadcast_in_dim3A : vector<256x1xf32>
    %add3A_14 = arith.constant 9.99999996E-13 : f32
    %add3A_15 = vector.broadcast %add3A_14 : f32 to vector<256x1xf32>
    %add3A_16 = arith.addf %sqrt3A, %add3A_15 : vector<256x1xf32>
    %div3A = vector.broadcast %add3A_16 : vector<256x1xf32> to vector<256x256xf32>
    %div3A_17 = arith.divf %add3A_10, %div3A : vector<256x256xf32>
    %convert_element_type3A_18 = arith.truncf %div3A_17 : vector<256x256xf32> to vector<256x256xbf16>
    %get3A_19 = arith.constant 0 : index
    %get3A_20 = arith.constant 0 : index
    %get3A_21 = vector.load %arg4[%get3A_19, %get3A_20] : memref<256x8192xbf16, #tpu.memory_space<vmem>>, vector<256x8192xbf16>
    %dot_general3A_22 = arith.constant dense<0.000000e+00> : vector<256x8192xf32>
    %dot_general3A_23 = tpu.matmul %convert_element_type3A_18, %get3A_21, %dot_general3A_22 {dimension_numbers = #tpu.dot_dimension_numbers<[1], [0], [0], [1], [0, 0, 1, 1], [], []>, transpose_lhs_hint = false} : vector<256x256xbf16>, vector<256x8192xbf16>, vector<256x8192xf32> -> vector<256x8192xf32>
    %iota3A = tpu.iota {dimensions = array<i32: 1>} : vector<256x2048xi32>
    %slice3A = vector.extract_strided_slice %dot_general3A_23 {offsets = [0, 0], sizes = [256, 2048], strides = [1, 1]} : vector<256x8192xf32> to vector<256x2048xf32>
    %reduce_max3A = arith.constant dense<0xFF800000> : vector<256xf32>
    %reduce_max3A_24 = vector.multi_reduction <maximumf>, %slice3A, %reduce_max3A [1] : vector<256x2048xf32> to vector<256xf32>
    %broadcast_in_dim3A_25 = vector.shape_cast %reduce_max3A_24 : vector<256xf32> to vector<256x1xf32>
    %eq3A = vector.broadcast %broadcast_in_dim3A_25 : vector<256x1xf32> to vector<256x2048xf32>
    %eq3A_26 = arith.cmpf oeq, %slice3A, %eq3A : vector<256x2048xf32>
    %jit3A = arith.constant 8192 : i32
    %broadcast_in_dim3A_27 = vector.broadcast %jit3A : i32 to vector<256x2048xi32>
    %select_n3A = arith.select %eq3A_26, %iota3A, %broadcast_in_dim3A_27 : vector<256x2048xi1>, vector<256x2048xi32>
    %reduce_min3A = arith.constant dense<2147483647> : vector<256xi32>
    %reduce_min3A_28 = vector.multi_reduction <minsi>, %select_n3A, %reduce_min3A [1] : vector<256x2048xi32> to vector<256xi32>
    %add3A_29 = arith.constant 0 : i32
    %add3A_30 = vector.broadcast %add3A_29 : i32 to vector<256xi32>
    %add3A_31 = arith.addi %reduce_min3A_28, %add3A_30 : vector<256xi32>
    %squeeze3A = vector.shape_cast %broadcast_in_dim3A_25 : vector<256x1xf32> to vector<256xf32>
    %convert_element_type3A_32 = arith.truncf %squeeze3A : vector<256xf32> to vector<256xbf16>
    %convert_element_type3A_33 = arith.extf %convert_element_type3A_32 : vector<256xbf16> to vector<256xf32>
    %slice3A_34 = vector.extract_strided_slice %dot_general3A_23 {offsets = [0, 2048], sizes = [256, 2048], strides = [1, 1]} : vector<256x8192xf32> to vector<256x2048xf32>
    %reduce_max3A_35 = arith.constant dense<0xFF800000> : vector<256xf32>
    %reduce_max3A_36 = vector.multi_reduction <maximumf>, %slice3A_34, %reduce_max3A_35 [1] : vector<256x2048xf32> to vector<256xf32>
    %broadcast_in_dim3A_37 = vector.shape_cast %reduce_max3A_36 : vector<256xf32> to vector<256x1xf32>
    %eq3A_38 = vector.broadcast %broadcast_in_dim3A_37 : vector<256x1xf32> to vector<256x2048xf32>
    %eq3A_39 = arith.cmpf oeq, %slice3A_34, %eq3A_38 : vector<256x2048xf32>
    %jit3A_40 = arith.constant 8192 : i32
    %broadcast_in_dim3A_41 = vector.broadcast %jit3A_40 : i32 to vector<256x2048xi32>
    %select_n3A_42 = arith.select %eq3A_39, %iota3A, %broadcast_in_dim3A_41 : vector<256x2048xi1>, vector<256x2048xi32>
    %reduce_min3A_43 = arith.constant dense<2147483647> : vector<256xi32>
    %reduce_min3A_44 = vector.multi_reduction <minsi>, %select_n3A_42, %reduce_min3A_43 [1] : vector<256x2048xi32> to vector<256xi32>
    %add3A_45 = arith.constant 2048 : i32
    %add3A_46 = vector.broadcast %add3A_45 : i32 to vector<256xi32>
    %add3A_47 = arith.addi %reduce_min3A_44, %add3A_46 : vector<256xi32>
    %squeeze3A_48 = vector.shape_cast %broadcast_in_dim3A_37 : vector<256x1xf32> to vector<256xf32>
    %gt3A = arith.cmpf ogt, %squeeze3A_48, %convert_element_type3A_33 : vector<256xf32>
    %eq3A_49 = arith.cmpf oeq, %squeeze3A_48, %convert_element_type3A_33 : vector<256xf32>
    %lt3A = arith.cmpi slt, %add3A_47, %add3A_31 : vector<256xi32>
    %and3A = arith.andi %eq3A_49, %lt3A : vector<256xi1>
    %or3A = arith.ori %gt3A, %and3A : vector<256xi1>
    %convert_element_type3A_50 = arith.truncf %squeeze3A_48 : vector<256xf32> to vector<256xbf16>
    %convert_element_type3A_51 = arith.extf %convert_element_type3A_50 : vector<256xbf16> to vector<256xf32>
    %select_n3A_52 = arith.select %or3A, %convert_element_type3A_51, %convert_element_type3A_33 : vector<256xi1>, vector<256xf32>
    %select_n3A_53 = arith.select %or3A, %add3A_47, %add3A_31 : vector<256xi1>, vector<256xi32>
    %slice3A_54 = vector.extract_strided_slice %dot_general3A_23 {offsets = [0, 4096], sizes = [256, 2048], strides = [1, 1]} : vector<256x8192xf32> to vector<256x2048xf32>
    %reduce_max3A_55 = arith.constant dense<0xFF800000> : vector<256xf32>
    %reduce_max3A_56 = vector.multi_reduction <maximumf>, %slice3A_54, %reduce_max3A_55 [1] : vector<256x2048xf32> to vector<256xf32>
    %broadcast_in_dim3A_57 = vector.shape_cast %reduce_max3A_56 : vector<256xf32> to vector<256x1xf32>
    %eq3A_58 = vector.broadcast %broadcast_in_dim3A_57 : vector<256x1xf32> to vector<256x2048xf32>
    %eq3A_59 = arith.cmpf oeq, %slice3A_54, %eq3A_58 : vector<256x2048xf32>
    %jit3A_60 = arith.constant 8192 : i32
    %broadcast_in_dim3A_61 = vector.broadcast %jit3A_60 : i32 to vector<256x2048xi32>
    %select_n3A_62 = arith.select %eq3A_59, %iota3A, %broadcast_in_dim3A_61 : vector<256x2048xi1>, vector<256x2048xi32>
    %reduce_min3A_63 = arith.constant dense<2147483647> : vector<256xi32>
    %reduce_min3A_64 = vector.multi_reduction <minsi>, %select_n3A_62, %reduce_min3A_63 [1] : vector<256x2048xi32> to vector<256xi32>
    %add3A_65 = arith.constant 4096 : i32
    %add3A_66 = vector.broadcast %add3A_65 : i32 to vector<256xi32>
    %add3A_67 = arith.addi %reduce_min3A_64, %add3A_66 : vector<256xi32>
    %squeeze3A_68 = vector.shape_cast %broadcast_in_dim3A_57 : vector<256x1xf32> to vector<256xf32>
    %gt3A_69 = arith.cmpf ogt, %squeeze3A_68, %select_n3A_52 : vector<256xf32>
    %eq3A_70 = arith.cmpf oeq, %squeeze3A_68, %select_n3A_52 : vector<256xf32>
    %lt3A_71 = arith.cmpi slt, %add3A_67, %select_n3A_53 : vector<256xi32>
    %and3A_72 = arith.andi %eq3A_70, %lt3A_71 : vector<256xi1>
    %or3A_73 = arith.ori %gt3A_69, %and3A_72 : vector<256xi1>
    %convert_element_type3A_74 = arith.truncf %squeeze3A_68 : vector<256xf32> to vector<256xbf16>
    %convert_element_type3A_75 = arith.extf %convert_element_type3A_74 : vector<256xbf16> to vector<256xf32>
    %select_n3A_76 = arith.select %or3A_73, %convert_element_type3A_75, %select_n3A_52 : vector<256xi1>, vector<256xf32>
    %select_n3A_77 = arith.select %or3A_73, %add3A_67, %select_n3A_53 : vector<256xi1>, vector<256xi32>
    %slice3A_78 = vector.extract_strided_slice %dot_general3A_23 {offsets = [0, 6144], sizes = [256, 2048], strides = [1, 1]} : vector<256x8192xf32> to vector<256x2048xf32>
    %reduce_max3A_79 = arith.constant dense<0xFF800000> : vector<256xf32>
    %reduce_max3A_80 = vector.multi_reduction <maximumf>, %slice3A_78, %reduce_max3A_79 [1] : vector<256x2048xf32> to vector<256xf32>
    %broadcast_in_dim3A_81 = vector.shape_cast %reduce_max3A_80 : vector<256xf32> to vector<256x1xf32>
    %eq3A_82 = vector.broadcast %broadcast_in_dim3A_81 : vector<256x1xf32> to vector<256x2048xf32>
    %eq3A_83 = arith.cmpf oeq, %slice3A_78, %eq3A_82 : vector<256x2048xf32>
    %jit3A_84 = arith.constant 8192 : i32
    %broadcast_in_dim3A_85 = vector.broadcast %jit3A_84 : i32 to vector<256x2048xi32>
    %select_n3A_86 = arith.select %eq3A_83, %iota3A, %broadcast_in_dim3A_85 : vector<256x2048xi1>, vector<256x2048xi32>
    %reduce_min3A_87 = arith.constant dense<2147483647> : vector<256xi32>
    %reduce_min3A_88 = vector.multi_reduction <minsi>, %select_n3A_86, %reduce_min3A_87 [1] : vector<256x2048xi32> to vector<256xi32>
    %add3A_89 = arith.constant 6144 : i32
    %add3A_90 = vector.broadcast %add3A_89 : i32 to vector<256xi32>
    %add3A_91 = arith.addi %reduce_min3A_88, %add3A_90 : vector<256xi32>
    %squeeze3A_92 = vector.shape_cast %broadcast_in_dim3A_81 : vector<256x1xf32> to vector<256xf32>
    %gt3A_93 = arith.cmpf ogt, %squeeze3A_92, %select_n3A_76 : vector<256xf32>
    %eq3A_94 = arith.cmpf oeq, %squeeze3A_92, %select_n3A_76 : vector<256xf32>
    %lt3A_95 = arith.cmpi slt, %add3A_91, %select_n3A_77 : vector<256xi32>
    %and3A_96 = arith.andi %eq3A_94, %lt3A_95 : vector<256xi1>
    %or3A_97 = arith.ori %gt3A_93, %and3A_96 : vector<256xi1>
    %select_n3A_98 = arith.select %or3A_97, %add3A_91, %select_n3A_77 : vector<256xi1>, vector<256xi32>
    %iota3A_99 = tpu.iota {dimensions = array<i32: 1>} : vector<256x8192xi32>
    %broadcast_in_dim3A_100 = vector.shape_cast %select_n3A_98 : vector<256xi32> to vector<256x1xi32>
    %eq3A_101 = vector.broadcast %broadcast_in_dim3A_100 : vector<256x1xi32> to vector<256x8192xi32>
    %eq3A_102 = arith.cmpi eq, %iota3A_99, %eq3A_101 : vector<256x8192xi32>
    %convert_element_type3A_103 = arith.extui %eq3A_102 : vector<256x8192xi1> to vector<256x8192xi32>
    %convert_element_type3A_104 = arith.sitofp %convert_element_type3A_103 : vector<256x8192xi32> to vector<256x8192xf32>
    %swap3A_105 = arith.constant 0 : index
    %swap3A_106 = arith.constant 0 : index
    %swap3A_107 = vector.load %arg6[%swap3A_105, %swap3A_106] : memref<256x8192xf32, #tpu.memory_space<vmem>>, vector<256x8192xf32>
    tpu.vector_store %arg6[%swap3A_105, %swap3A_106], %convert_element_type3A_104 {strides = array<i32>} : memref<256x8192xf32, #tpu.memory_space<vmem>>, vector<256x8192xf32>,
    %swap3A_108 = arith.constant 0 : index
    %swap3A_109 = arith.constant 0 : index
    %swap3A_110 = arith.constant 0 : index
    %swap3A_111 = vector.load %arg7[%swap3A_108, %swap3A_109, %swap3A_110] : memref<1x1x256xi32, #tpu.memory_space<vmem>>, vector<1x1x256xi32>
    %swap3A_112 = vector.shape_cast %swap3A_111 : vector<1x1x256xi32> to vector<256xi32>
    %swap3A_113 = vector.shape_cast %select_n3A_98 : vector<256xi32> to vector<1x1x256xi32>
    tpu.vector_store %arg7[%swap3A_108, %swap3A_109, %swap3A_110], %swap3A_113 {strides = array<i32>} : memref<1x1x256xi32, #tpu.memory_space<vmem>>, vector<1x1x256xi32>,
    return
  }
  func.func @transform_0(%arg0: i32) -> (i32, i32) {
    %c0_i32 = arith.constant 0 : i32
    %c0_i32_0 = arith.constant 0 : i32
    return %arg0, %c0_i32 : i32, i32
  }
  func.func @transform_1(%arg0: i32) -> (i32, i32) {
    %c0_i32 = arith.constant 0 : i32
    %c0_i32_0 = arith.constant 0 : i32
    %c0_i32_1 = arith.constant 0 : i32
    return %c0_i32, %c0_i32_0 : i32, i32
  }
  func.func @transform_2(%arg0: i32) -> (i32, i32) {
    %c0_i32 = arith.constant 0 : i32
    %c0_i32_0 = arith.constant 0 : i32
    %c0_i32_1 = arith.constant 0 : i32
    return %c0_i32, %c0_i32_0 : i32, i32
  }
  func.func @transform_3(%arg0: i32) -> (i32, i32) {
    %c0_i32 = arith.constant 0 : i32
    %c0_i32_0 = arith.constant 0 : i32
    %c0_i32_1 = arith.constant 0 : i32
    return %c0_i32, %c0_i32_0 : i32, i32
  }
  func.func @transform_4(%arg0: i32) -> (i32, i32) {
    %c0_i32 = arith.constant 0 : i32
    %c0_i32_0 = arith.constant 0 : i32
    return %arg0, %c0_i32 : i32, i32
  }
  func.func @transform_5(%arg0: i32) -> (i32, i32) {
    %c0_i32 = arith.constant 0 : i32
    %c0_i32_0 = arith.constant 0 : i32
    return %arg0, %c0_i32 : i32, i32
  }
  func.func @transform_6(%arg0: i32) -> (i32, i32, i32) {
    %c0_i32 = arith.constant 0 : i32
    %c0_i32_0 = arith.constant 0 : i32
    %c0_i32_1 = arith.constant 0 : i32
    return %arg0, %c0_i32, %c0_i32_0 : i32, i32, i32
  }
}

module attributes {stable_mosaic.version = 14 : i64} {
  func.func @_prep_kernel(%arg0: memref<256x8192xf32, #tpu.memory_space<vmem>>, %arg1: memref<256x8192xbf16, #tpu.memory_space<vmem>>, %arg2: memref<8192x256xf32, #tpu.memory_space<vmem>>) attributes {dimension_semantics = [], scalar_prefetch = 0 : i64, scratch_operands = 0 : i64, tpu.core_type = #tpu.core_type<tc>} {
    %get3A = arith.constant 0 : index
    %get3A_0 = arith.constant 0 : index
    %get3A_1 = vector.load %arg0[%get3A, %get3A_0] : memref<256x8192xf32, #tpu.memory_space<vmem>>, vector<256x8192xf32>
    %mul3A = arith.mulf %get3A_1, %get3A_1 : vector<256x8192xf32>
    %reduce_sum3A = arith.constant dense<0.000000e+00> : vector<8192xf32>
    %reduce_sum3A_2 = vector.multi_reduction <add>, %mul3A, %reduce_sum3A [0] : vector<256x8192xf32> to vector<8192xf32>
    %broadcast_in_dim3A = vector.shape_cast %reduce_sum3A_2 : vector<8192xf32> to vector<1x8192xf32>
    %sqrt3A = math.sqrt %broadcast_in_dim3A : vector<1x8192xf32>
    %add3A = arith.constant 9.99999996E-13 : f32
    %add3A_3 = vector.broadcast %add3A : f32 to vector<1x8192xf32>
    %add3A_4 = arith.addf %sqrt3A, %add3A_3 : vector<1x8192xf32>
    %div3A = vector.broadcast %add3A_4 : vector<1x8192xf32> to vector<256x8192xf32>
    %div3A_5 = arith.divf %get3A_1, %div3A : vector<256x8192xf32>
    %convert_element_type3A = arith.truncf %div3A_5 : vector<256x8192xf32> to vector<256x8192xbf16>
    %swap3A = arith.constant 0 : index
    %swap3A_6 = arith.constant 0 : index
    %swap3A_7 = vector.load %arg1[%swap3A, %swap3A_6] : memref<256x8192xbf16, #tpu.memory_space<vmem>>, vector<256x8192xbf16>
    tpu.vector_store %arg1[%swap3A, %swap3A_6], %convert_element_type3A {strides = array<i32>} : memref<256x8192xbf16, #tpu.memory_space<vmem>>, vector<256x8192xbf16>,
    %transpose3A = tpu.transpose %get3A_1, [1, 0] : vector<256x8192xf32> -> vector<8192x256xf32>
    %swap3A_8 = arith.constant 0 : index
    %swap3A_9 = arith.constant 0 : index
    %swap3A_10 = vector.load %arg2[%swap3A_8, %swap3A_9] : memref<8192x256xf32, #tpu.memory_space<vmem>>, vector<8192x256xf32>
    tpu.vector_store %arg2[%swap3A_8, %swap3A_9], %transpose3A {strides = array<i32>} : memref<8192x256xf32, #tpu.memory_space<vmem>>, vector<8192x256xf32>,
    return
  }
}

module attributes {stable_mosaic.version = 14 : i64} {
  func.func @_out_kernel(%arg0: i32, %arg1: memref<256x256xf32, #tpu.memory_space<vmem>>, %arg2: memref<256x256xf32, #tpu.memory_space<vmem>>, %arg3: memref<256x768xf32, #tpu.memory_space<vmem>>, %arg4: memref<1x768xf32, #tpu.memory_space<vmem>>, %arg5: memref<256x768xf32, #tpu.memory_space<vmem>>, %arg6: memref<1x1x1xf32, #tpu.memory_space<vmem>>) attributes {dimension_semantics = [#tpu.dimension_semantics<arbitrary>], iteration_bounds = array<i64: 36>, scalar_prefetch = 0 : i64, scratch_operands = 0 : i64, tpu.core_type = #tpu.core_type<tc>, window_params = [{transform_indices = @transform_0, window_bounds = array<i64: 256, 256>}, {transform_indices = @transform_1, window_bounds = array<i64: 256, 256>}, {pipeline_mode = #tpu.pipeline_mode<synchronous>, transform_indices = @transform_2, window_bounds = array<i64: 256, 768>}, {pipeline_mode = #tpu.pipeline_mode<synchronous>, transform_indices = @transform_3, window_bounds = array<i64: 1, 768>}, {transform_indices = @transform_4, window_bounds = array<i64: 256, 768>}, {transform_indices = @transform_5, window_bounds = array<i64: 1, 1, 1>}]} {
    %get3A = arith.constant 0 : index
    %get3A_0 = arith.constant 0 : index
    %get3A_1 = vector.load %arg1[%get3A, %get3A_0] : memref<256x256xf32, #tpu.memory_space<vmem>>, vector<256x256xf32>
    %convert_element_type3A = arith.truncf %get3A_1 : vector<256x256xf32> to vector<256x256xbf16>
    %get3A_2 = arith.constant 0 : index
    %get3A_3 = arith.constant 0 : index
    %get3A_4 = vector.load %arg3[%get3A_2, %get3A_3] : memref<256x768xf32, #tpu.memory_space<vmem>>, vector<256x768xf32>
    %convert_element_type3A_5 = arith.truncf %get3A_4 : vector<256x768xf32> to vector<256x768xbf16>
    %dot_general3A = arith.constant dense<0.000000e+00> : vector<256x768xf32>
    %dot_general3A_6 = tpu.matmul %convert_element_type3A, %convert_element_type3A_5, %dot_general3A {dimension_numbers = #tpu.dot_dimension_numbers<[1], [0], [0], [1], [0, 0, 1, 1], [], []>, transpose_lhs_hint = false} : vector<256x256xbf16>, vector<256x768xbf16>, vector<256x768xf32> -> vector<256x768xf32>
    %get3A_7 = arith.constant 0 : index
    %get3A_8 = arith.constant 0 : index
    %get3A_9 = vector.load %arg4[%get3A_7, %get3A_8] : memref<1x768xf32, #tpu.memory_space<vmem>>, vector<1x768xf32>
    %add3A = vector.broadcast %get3A_9 : vector<1x768xf32> to vector<256x768xf32>
    %add3A_10 = arith.addf %dot_general3A_6, %add3A : vector<256x768xf32>
    %swap3A = arith.constant 0 : index
    %swap3A_11 = arith.constant 0 : index
    %swap3A_12 = vector.load %arg5[%swap3A, %swap3A_11] : memref<256x768xf32, #tpu.memory_space<vmem>>, vector<256x768xf32>
    tpu.vector_store %arg5[%swap3A, %swap3A_11], %add3A_10 {strides = array<i32>} : memref<256x768xf32, #tpu.memory_space<vmem>>, vector<256x768xf32>,
    %get3A_13 = arith.constant 0 : index
    %get3A_14 = arith.constant 0 : index
    %get3A_15 = vector.load %arg2[%get3A_13, %get3A_14] : memref<256x256xf32, #tpu.memory_space<vmem>>, vector<256x256xf32>
    %sub3A = arith.subf %get3A_1, %get3A_15 : vector<256x256xf32>
    %mul3A = arith.mulf %sub3A, %sub3A : vector<256x256xf32>
    %reduce_sum3A = vector.shape_cast %mul3A : vector<256x256xf32> to vector<1x256x256xf32>
    %reduce_sum3A_16 = arith.constant dense<0.000000e+00> : vector<1xf32>
    %reduce_sum3A_17 = vector.multi_reduction <add>, %reduce_sum3A, %reduce_sum3A_16 [1, 2] : vector<1x256x256xf32> to vector<1xf32>
    %reduce_sum3A_18 = vector.shape_cast %reduce_sum3A_17 : vector<1xf32> to vector<1x1x1xf32>
    %reduce_sum3A_19 = vector.extract %reduce_sum3A_18[0, 0, 0] : f32 from vector<1x1x1xf32>
    %mul3A_20 = arith.constant 2.000000e+00 : f32
    %mul3A_21 = arith.mulf %mul3A_20, %reduce_sum3A_19 : f32
    %div3A = arith.constant 0x4A100000 : f32
    %div3A_22 = arith.divf %mul3A_21, %div3A : f32
    %reshape3A = vector.broadcast %div3A_22 : f32 to vector<1x1x1xf32>
    %swap3A_23 = arith.constant 0 : index
    %swap3A_24 = arith.constant 0 : index
    %swap3A_25 = arith.constant 0 : index
    %swap3A_26 = vector.load %arg6[%swap3A_23, %swap3A_24, %swap3A_25] : memref<1x1x1xf32, #tpu.memory_space<vmem>>, vector<1x1x1xf32>
    tpu.vector_store %arg6[%swap3A_23, %swap3A_24, %swap3A_25], %reshape3A {strides = array<i32>} : memref<1x1x1xf32, #tpu.memory_space<vmem>>, vector<1x1x1xf32>,
    return
  }
  func.func @transform_0(%arg0: i32) -> (i32, i32) {
    %c0_i32 = arith.constant 0 : i32
    %c0_i32_0 = arith.constant 0 : i32
    return %arg0, %c0_i32 : i32, i32
  }
  func.func @transform_1(%arg0: i32) -> (i32, i32) {
    %c0_i32 = arith.constant 0 : i32
    %c0_i32_0 = arith.constant 0 : i32
    return %arg0, %c0_i32 : i32, i32
  }
  func.func @transform_2(%arg0: i32) -> (i32, i32) {
    %c0_i32 = arith.constant 0 : i32
    %c0_i32_0 = arith.constant 0 : i32
    %c0_i32_1 = arith.constant 0 : i32
    return %c0_i32, %c0_i32_0 : i32, i32
  }
  func.func @transform_3(%arg0: i32) -> (i32, i32) {
    %c0_i32 = arith.constant 0 : i32
    %c0_i32_0 = arith.constant 0 : i32
    %c0_i32_1 = arith.constant 0 : i32
    return %c0_i32, %c0_i32_0 : i32, i32
  }
  func.func @transform_4(%arg0: i32) -> (i32, i32) {
    %c0_i32 = arith.constant 0 : i32
    %c0_i32_0 = arith.constant 0 : i32
    return %arg0, %c0_i32 : i32, i32
  }
  func.func @transform_5(%arg0: i32) -> (i32, i32, i32) {
    %c0_i32 = arith.constant 0 : i32
    %c0_i32_0 = arith.constant 0 : i32
    %c0_i32_1 = arith.constant 0 : i32
    return %arg0, %c0_i32, %c0_i32_0 : i32, i32, i32
  }
}

</mosaic_0001>

<sc_bundles>
// kernel: kernel.6.cloned.1.call-start
scs
__scs_entry_jumppad:
0x0: {  	(pc) =	sbr.rel $0x88, $3  }
0x1: {  	(tag) =	ssettag $0x0;
	lr =	simm.s32 $0x1  }
0x2: {  	[smem:$0x3F9B] =	sst lr;
	_ =	strace $0xD0000000  }
0x3: {  	_ = 	snop  }
0x4: {  	_ = 	snop  }
0x5: {  	_ = 	snop  }
0x6: {  	_ = 	snop  }
0x7: {  	_ = 	snop  }
__scs_overlays_trampoline_lowered:
0x8: {  	[smem:$0x3FAA] =	sst s0  }
0x9: {  	[smem:$0x3FAB] =	sst s1  }
0xa: {  	[smem:$0x3FAC] =	sst s2  }
0xb: {  	[smem:$0x3FAD] =	sst s3  }
0xc: {  	[smem:$0x3FAE] =	sst s4  }
0xd: {  	[smem:$0x3FAF] =	sst s5  }
0xe: {  	[smem:$0x3FB0] =	sst s6  }
0xf: {  	[smem:$0x3FB1] =	sst s7  }
0x10: {  	[smem:$0x3FB2] =	sst s8  }
0x11: {  	[smem:$0x3FB3] =	sst s9;
	s0 =	simm.s32 @!p0 $0x0  }
0x12: {  	s1 =	sld [smem:$0x3F99];
	s0 =	simm.s32 @p0 $0x1  }
0x13: {  	[smem:$0x3FB4] =	sst s0;
	s0 =	simm.s32 @!p1 $0x0  }
0x14: {  	s2 =	sld [smem:$0x3F98];
	s0 =	simm.s32 @p1 $0x1  }
0x15: {  	[smem:$0x3FB5] =	sst s0;
	s0 =	simm.s32 @!p2 $0x0  }
0x16: {  	s3 =	sld [smem:$0x3FDB];
	s0 =	simm.s32 @p2 $0x1  }
0x17: {  	s4 =	simm.s32 $0x1BF5;
	[smem:$0x3FB7] =	sst s0  }
0x18: {  	s0 =	sld [smem:$0x3F9A];
	_ =	swait.ge [sflag:s4], $0x0  }
0x19: {  	s7 =	sld [smem:$0x3F9B]  }
0x1a: {  	s8 =	sadd.s32 $0xFFFFE003, lr  }
0x1b: {  	s9 =	sadd.s32 $0xFFFFFEF7, lr;
	s5 =	simm.s32 $0xFFFFFFFF;
	p2 =	slt.u32 s8, $0xFFFFF086  }
0x1c: {  	p1 =	slt.u32 s9, $0xF7A;
	s5 =	simm.s32 @!p2 $0x0  }
0x1d: {  	s5 =	simm.s32 @p1 $0x1;
	p0 =	seq.s32 s7, s2  }
0x1e: {  	s7 =	smul.u32 @!p0 $0xF7A, s2;
	p2 =	seq.s32 @!p0 s5, $0x0  }
0x1f: {  	s9 =	smul.u32 $0xF7A, s1;
	s8 =	simm.s32 @!p0 $0x1BF5;
	p2 =	por !p2, p0  }
0x20: {  	[sflag:s8] =	ssyncset.s32 @!p0 $0xFFFFF086;
	s6 =	sadd.s32 @!p0 s3, s7;
	s7 =	simm.s32 @!p0 $0x108  }
0x21: {  	s3 =	sadd.s32 s3, s9;
	s6 =	sadd.s32 @!p0 $0x88, s6;
	s7 =	simm.s32 @p2 $0x1082  }
0x22: {  	[simem:s7], [sflag:s8] =	dma.local @!p0 [hbm:s6], $0xF7A  }
0x23: {  	s9 =	sor.u32 $0xD0000000, s2;
	s6 =	simm.s32 $0x108;
	_ =	swait.ge @!p0 [sflag:s8], $0x0  }
0x24: {  	s3 =	sadd.s32 $0x88, s3;
	s6 =	simm.s32 @!p1 $0x1082;
	[sflag:s4] =	ssyncset.s32 $0xFFFFF086  }
0x25: {  	[simem:s6], [sflag:s4] =	dma.local [hbm:s3], $0xF7A  }
0x26: {  	[smem:$0x3F9B] =	sst s1;
	(tag) =	ssettag s2;
	_ =	strace s9  }
0x27: {  	s1 =	sld [smem:$0x3FAB]  }
0x28: {  	s2 =	sld [smem:$0x3FAC]  }
0x29: {  	s4 =	sld [smem:$0x3FAE]  }
0x2a: {  	p0 =	seq.s32 s5, $0x0;
	s5 =	sld [smem:$0x3FAF]  }
0x2b: {  	s6 =	sld [smem:$0x3FB0]  }
0x2c: {  	s7 =	sld [smem:$0x3FB1]  }
0x2d: {  	s3 =	simm.s32 $0x108;
	s8 =	sld [smem:$0x3FB2]  }
0x2e: {  	s3 =	simm.s32 @!p0 $0x1082;
	s9 =	sld [smem:$0x3FB3]  }
0x2f: {  	lr =	sadd.s32 s0, s3;
	s0 =	sld [smem:$0x3FAA]  }
0x30: {  	s3 =	sld [smem:$0x3FAD]  }
0x31: {  	[smem:$0x3FB6] =	sst s10  }
0x32: {  	s10 =	sld [smem:$0x3FB4];
	_ =	sdelay $0x3  }
0x33: {  	p0 =	seq.s32 s10, $0x1;
	s10 =	sld [smem:$0x3FB6];
	_ =	sdelay $0x3  }
0x34: {  	[smem:$0x3FB6] =	sst s10  }
0x35: {  	s10 =	sld [smem:$0x3FB5];
	_ =	sdelay $0x3  }
0x36: {  	p1 =	seq.s32 s10, $0x1;
	s10 =	sld [smem:$0x3FB6];
	_ =	sdelay $0x3  }
0x37: {  	[smem:$0x3FB6] =	sst s10  }
0x38: {  	s10 =	sld [smem:$0x3FB7]  }
0x39: {  	_ = 	snop;
	(pc) =	sbr.ind lr, $3  }
0x3a: {  	_ = 	snop  }
0x3b: {  	_ = 	snop  }
0x3c: {  	p2 =	seq.s32 s10, $0x1;
	s10 =	sld [smem:$0x3FB6]  }
0x3d: {  	_ =	shalt  }
0x3e: {  	_ =	shalt  }
0x3f: {  	_ =	shalt  }
0x40: {  	_ =	shalt  }
0x41: {  	_ =	shalt  }
0x42: {  	_ =	shalt  }
0x43: {  	_ =	shalt  }
0x44: {  	_ =	shalt  }
0x45: {  	_ =	shalt  }
0x46: {  	_ =	shalt  }
0x47: {  	_ =	shalt  }
0x48: {  	_ =	shalt  }
0x49: {  	_ =	shalt  }
0x4a: {  	_ =	shalt  }
0x4b: {  	_ =	shalt  }
0x4c: {  	_ =	shalt  }
0x4d: {  	_ =	shalt  }
0x4e: {  	_ =	shalt  }
0x4f: {  	_ =	shalt  }
0x50: {  	_ =	shalt  }
0x51: {  	_ =	shalt  }
0x52: {  	_ =	shalt  }
0x53: {  	_ =	shalt  }
0x54: {  	_ =	shalt  }
0x55: {  	_ =	shalt  }
0x56: {  	_ =	shalt  }
0x57: {  	_ =	shalt  }
0x58: {  	_ =	shalt  }
0x59: {  	_ =	shalt  }
0x5a: {  	_ =	shalt  }
0x5b: {  	_ =	shalt  }
0x5c: {  	_ =	shalt  }
0x5d: {  	_ =	shalt  }
0x5e: {  	_ =	shalt  }
0x5f: {  	_ =	shalt  }
0x60: {  	_ =	shalt  }
0x61: {  	_ =	shalt  }
0x62: {  	_ =	shalt  }
0x63: {  	_ =	shalt  }
0x64: {  	_ =	shalt  }
0x65: {  	_ =	shalt  }
0x66: {  	_ =	shalt  }
0x67: {  	_ =	shalt  }
0x68: {  	_ =	shalt  }
0x69: {  	_ =	shalt  }
0x6a: {  	_ =	shalt  }
0x6b: {  	_ =	shalt  }
0x6c: {  	_ =	shalt  }
0x6d: {  	_ =	shalt  }
0x6e: {  	_ =	shalt  }
0x6f: {  	_ =	shalt  }
0x70: {  	_ =	shalt  }
0x71: {  	_ =	shalt  }
0x72: {  	_ =	shalt  }
0x73: {  	_ =	shalt  }
0x74: {  	_ =	shalt  }
0x75: {  	_ =	shalt  }
0x76: {  	_ =	shalt  }
0x77: {  	_ =	shalt  }
0x78: {  	_ =	shalt  }
0x79: {  	_ =	shalt  }
0x7a: {  	_ =	shalt  }
0x7b: {  	_ =	shalt  }
0x7c: {  	_ =	shalt  }
0x7d: {  	_ =	shalt  }
0x7e: {  	_ =	shalt  }
0x7f: {  	_ =	shalt  }
0x80: {  	_ =	shalt  }
0x81: {  	_ =	shalt  }
0x82: {  	_ =	shalt  }
0x83: {  	_ =	shalt  }
0x84: {  	_ =	shalt  }
0x85: {  	_ =	shalt  }
0x86: {  	_ =	shalt  }
0x87: {  	_ =	shalt  }
.Lfunc_end0:
.L_simem_size_0:
called_computation_lowered:
.L_overlay_start_0:
0x88: {  	s2 =	sld [smem:$0x3FD9]  }
0x89: {  	s3 =	sld [smem:$0x3FFE];
	_ =	sdelay $0x1  }
0x8a: {  	s1 =	srdreg.scid  }
0x8b: {  	s0 =	sand.u32 $0x1, s1  }
0x8c: {  	s14 =	sshll.u32 s0, $0xA;
	s2 =	sadd.s32 s3, s2  }
0x8d: {  	s2 =	sadd.s32 s2, s14  }
0x8e: {  	[smem:$0x3FC2] =	sst s2  }
0x8f: {  	_ = 	snop  }
0x90: {  	s2 =	sld [smem:$0x3FD0];
	_ =	sdelay $0x2  }
0x91: {  	s15 =	simm.s32 $0xA;
	s4 =	simm.s32 $0x10  }
0x92: {  	[smem:s4], [sflag:s15] =	dma.local [hbm:s2], $0x1  }
0x93: {  	_ =	swait.eq [sflag:s15], $0x1  }
0x94: {  	[sflag:s15] =	ssyncset.done $0x0  }
0x95: {  	[sflag:s15] =	ssyncadd.s32 $0xFFFFFFFF  }
0x96: {  	s16 =	sld [smem:$0x10];
	(tm) =	ssettm $0x1  }
0x97: {  	s17 =	sld [smem:$0x3FFB];
	_ =	sdelay $0x3  }
0x98: {  	_ =	strace s17  }
0x99: {  	s3 =	sld [smem:$0x3FFC];
	_ =	sdelay $0x3  }
0x9a: {  	_ =	strace s3  }
0x9b: {  	s3 =	sld [smem:$0x3FFD];
	_ =	sdelay $0x3  }
0x9c: {  	_ =	strace s3  }
0x9d: {  	_ =	strace $0x8FFFFFFF  }
0x9e: {  	s18 =	sld [smem:$0x3FDB];
	_ =	sdelay $0x1  }
0x9f: {  	s19 =	simm.s32 $_scs_section_size  }
0xa0: {  	s5 =	simm.s32 $_size__tile_overlayer_lowered;
	s6 =	simm.s32 $_tile_overlayer_lowered  }
0xa1: {  	s22 =	simm.s32 $0x1BFF;
	s21 =	sshll.u32 s6, $0x1;
	s3 =	sadd.s32 s19, s18  }
0xa2: {  	s7 =	simm.s32 $0x0;
	s20 =	sshll.u32 s5, $0x1;
	s5 =	sadd.s32 s21, s3  }
0xa3: {  	[timem:s7], [sflag:s22] =	dma.local [hbm:s5], s20  }
0xa4: {  	_ =	swait.ge [sflag:s22], s20  }
0xa5: {  	s4 =	ssub.s32 $0x0, s20;
	[sflag:s22] =	ssyncset.done $0x0  }
0xa6: {  	[sflag:s22] =	ssyncadd.s32 s4;
	_ =	sdelay $0x1  }
0xa7: {  	s23 =	simm.s32 $0x1B8B  }
0xa8: {  	_ =	swait.ge [sflag:s23], $0x1  }
0xa9: {  	[sflag:s23] =	ssyncset.done $0x0  }
0xaa: {  	s25 =	simm.s32 $0x1B8E;
	s24 =	sld [smem:$0x3FFE];
	[sflag:s23] =	ssyncadd.s32 $0xFFFFFFFF  }
0xab: {  	s26 =	simm.s32 $execute0_lowered;
	[smem:$0x3FD2] =	sst s25  }
0xac: {  	s5 =	sshll.u32 s26, $0x1;
	_ =	strace $0x80000046;
	[dreg:$0x1] =	wrdreg $0xFFFFFFFF  }
0xad: {  	s28 =	simm.s32 $_size_execute0_lowered;
	s3 =	sadd.s32 s3, s5;
	[dreg:$0x0] =	wrdreg $0x0  }
0xae: {  	s5 =	sshll.u32 s28, $0x1;
	[dreg:$0x2] =	wrdreg s3  }
0xaf: {  	[dreg:$0x3] =	wrdreg s5  }
0xb0: {  	[dreg:$0x4] =	wrdreg $0xC0  }
0xb1: {  	_ =	task [dreg:s7], $0x5FFFF  }
0xb2: {  	[dreg:$0x1] =	wrdreg $0xFFFFFFFF  }
0xb3: {  	[dreg:$0x0] =	wrdreg $0x60  }
0xb4: {  	[dreg:$0x2] =	wrdreg s24  }
0xb5: {  	[dreg:$0x3] =	wrdreg s16  }
0xb6: {  	[dreg:$0x4] =	wrdreg $0x9  }
0xb7: {  	_ =	task.clear_ibuf [dreg:s7], $0x5FFFF;
	_ =	strace $0x90000046  }
0xb8: {  	s29 =	simm.s32 $0x9;
	_ =	strace $0x8000004F  }
0xb9: {  	_ =	swait.ge [sflag:s29], $0x1  }
0xba: {  	[sflag:s29] =	ssyncadd.s32 $0xFFFFFFFF  }
0xbb: {  	_ =	strace $0x9000004F  }
0xbc: {  	_ =	sfence  }
0xbd: {  	s30 =	sld [smem:$0x0];
	_ =	sdelay $0x2  }
0xbe: {  	s31 =	sshll.u32 s1, $0xD;
	s1 =	sshrl.u32 s1, $0x2  }
0xbf: {  	s3 =	sand.u32 $0x4000, s31;
	s1 =	sadd.s32 s1, s30  }
0xc0: {  	s0 =	sor.u32 s3, s0;
	s1 =	sshll.u32 s1, $0x11  }
0xc1: {  	s0 =	sor.u32 s1, s0  }
0xc2: {  	s0 =	sadd.s32 $0x8F2B, s0  }
0xc3: {  	[sflag:s0] =	ssyncadd.remote.s32 $0x1  }
0xc4: {  	_ =	sfence.sel $0xFFFF  }
0xc5: {  	[dreg:$0x0] =	wrdreg $0xFFFFFFFF;
	(pc) =	sbr.abs _section_cstart, $3  }
0xc6: {  	[dreg:$0x1] =	wrdreg $0xFFFFFFFF  }
0xc7: {  	_ =	task.clear_ibuf [dreg:s7], $0x2FFFF;
	_ =	strace $0x9FFFFFFF  }
0xc8: {  	(tm) =	ssettm $0x7FFFFFFF  }
0xc9: {  	_ =	shalt  }
tec
execute0_lowered:
.L_overlay_start_1:
0x0: {  	(tag) =	ssettag $0x1  }
0x1: {  	s5 =	rddreg [dreg:$0x0]  }
0x2: {  	s0 =	rddreg [dreg:$0x1]  }
0x3: {  	s4 =	srdreg.scid;
	[dreg:$0x3] =	wrdreg s0  }
0x4: {  	s1 =	simm.s32 $0x0;
	s2 =	stileid.u32;
	s0 =	rddreg [dreg:$0x2]  }
0x5: {  	s11 =	simm.s32 $0x0;
	[smem:$0x7FF] =	sst s1;
	s3 =	sadd.s32 $0x1200, s5  }
0x6: {  	s4 =	sand.u32 $0x1, s4;
	s6 =	smul.u32 $0x5, s2;
	s7 =	sshll.u32 s2, $0x2  }
0x7: {  	p0 =	slt.u32 s2, $0x8;
	s5 =	sadd.s32 $0x41200, s5;
	_ =	strace $0x80000047  }
0x8: {  	s8 =	ssub.s32 $0x2, s4;
	s4 =	sadd.s32 $0x8, s7;
	s7 =	simm.s32 $0x5  }
0x9: {  	v2 =	vlaneseq.u32;
	s30 =	sshrl.u32 s8, $0x1;
	s4 =	smov.u32 @p0 s6;
	s6 =	simm.s32 $0x5  }
0xa: {  	vm0 =	vmmov $0xffff;
	v1 =	vshrl.u32 v2, $0x3;
	s10 =	ssub.s32 s8, s30;
	s31 =	sshll.u32 s4, $0x4;
	s6 =	simm.s32 @!p0 $0x4  }
0xb: {  	v0 =	vand.u32 $0x7, v2;
	v2 =	vor.u32 $0x8, v2;
	v1 =	vmul.u32 $0x8, v1;
	s8 =	sadd.s32 s5, s31;
	s9 =	sadd.s32 $0xFFFFFFFF, s6;
	s10 =	smax.u32 s10, $0x1  }
.LBB2_1:
0xc: {  	_ =	strace $0x80000048;
	s13 =	simm.s32 $0x0  }
0xd: {  	s12 =	simm.s32 $0x0;
	s14 =	simm.s32 $0x0;
	s15 =	simm.s32 $0x0  }
0xe: {  	[tilespmem:s1], [sflag:$0x1] =	stream.linear.gather [hbm4b:s8+s1], $0x80, $0x200038;
	[tilespmem:$0x10100] =	vst v63  }
0xf: {  	s16 =	simm.s32 $0x1;
	s17 =	simm.s32 $0x0;
	_ =	strace $0x90000048  }
.LBB2_2:
0x10: {  	s18 =	smov.u32 s13;
	s13 =	sadd.s32 $0x1, s13  }
0x11: {  	p0 =	seq.s32 s13, s6  }
0x12: {  	s13 =	simm.s32 @p0 $0x0  }
0x13: {  	p6 =	slt.u32 s17, s9;
	p1 =	sne.s32 s18, s13  }
0x14: {  	p0 =	por !p6, !p1  }
0x15: {  	p0 =	por !p0, !p0  }
0x16: {  	s19 =	sadd.s32 @p0 s4, s13  }
0x17: {  	s20 =	sand.u32 @p0 $0x1, s16;
	s19 =	sshll.u32 @p0 s19, $0x4  }
0x18: {  	_ =	strace @p0 $0x80000049;
	s22 =	simm.s32 @p0 $0x0;
	s19 =	sand.u32 @p0 $0x1FFFFFF0, s19  }
0x19: {  	s21 =	sshll.u32 @p0 s20, $0x7;
	s20 =	sadd.s32 @p0 $0x1, s20;
	s19 =	sadd.s32 @p0 s5, s19  }
0x1a: {  	[tilespmem:s21], [sflag:s20] =	stream.linear.gather @p0 [hbm4b:s19+s22], $0x80, $0x200038;
	[tilespmem:$0x10100] =	vst v63  }
0x1b: {  	s23 =	sand.u32 $0x1, s15;
	_ =	strace @p0 $0x90000049  }
0x1c: {  	s19 =	sadd.s32 $0x1, s23;
	_ =	strace $0x8000004A  }
0x1d: {  	_ =	swait.ge [sflag:s19], $0x80  }
0x1e: {  	[sflag:s19] =	ssyncset.done $0x0  }
0x1f: {  	[sflag:s19] =	ssyncadd.s32 $0xFFFFFF80  }
0x20: {  	s24 =	sshll.u32 s15, $0x7;
	_ =	strace $0x9000004A  }
0x21: {  	s22 =	sand.u32 $0x80, s24;
	_ =	strace $0x8000004B  }
0x22: {  	v3 =	vld [tilespmem:s22+$0x0];
	_ =	sdelay $0x4  }
0x23: {  	v4 =	vshll.u32 v3, $0x1  }
0x24: {  	v3 =	vand.u32 $0x7, v3;
	v4 =	vand.u32 $0xFFFFFFF0, v4  }
0x25: {  	v3 =	vor.u32 v3, v4  }
0x26: {  	v4 =	vperm.xlane v3, v0;
	_ =	sdelay $0x1  }
0x27: {  	v3 =	vperm.xlane v3, v2;
	v4 =	vadd.s32 v1, v4;
	_ =	sdelay $0x1  }
0x28: {  	s19 =	sand.u32 $0x1, s14;
	v3 =	vadd.s32 v1, v3  }
0x29: {  	s21 =	sshll.u32 s19, $0xF  }
0x2a: {  	s20 =	sor.u32 $0x100, s21  }
0x2b: {  	[tilespmem:s20], [sflag:$0x5] =	stream.indirect_vreg.gather [hbm4b:s3+s1], $0x80, v4, vm0, $0x2000b8;
	[tilespmem:$0x10100] =	vst v63  }
0x2c: {  	s23 =	sor.u32 $0x900, s21  }
0x2d: {  	[tilespmem:s23], [sflag:$0x5] =	stream.indirect_vreg.gather [hbm4b:s3+s1], $0x80, v3, vm0, $0x2000b8;
	[tilespmem:$0x10100] =	vst v63  }
0x2e: {  	v3 =	vld [tilespmem:s22+$0x10];
	_ =	sdelay $0x4  }
0x2f: {  	v57 =	vshll.u32 v3, $0x1  }
0x30: {  	v3 =	vand.u32 $0x7, v3;
	v4 =	vand.u32 $0xFFFFFFF0, v57  }
0x31: {  	v3 =	vor.u32 v3, v4  }
0x32: {  	v4 =	vperm.xlane v3, v0;
	_ =	sdelay $0x1  }
0x33: {  	v3 =	vperm.xlane v3, v2;
	v4 =	vadd.s32 v1, v4;
	_ =	sdelay $0x1  }
0x34: {  	v3 =	vadd.s32 v1, v3;
	_ =	sdelay $0x1  }
0x35: {  	s25 =	sor.u32 $0x1100, s21  }
0x36: {  	[tilespmem:s25], [sflag:$0x5] =	stream.indirect_vreg.gather [hbm4b:s3+s1], $0x80, v4, vm0, $0x2000b8;
	[tilespmem:$0x10100] =	vst v63  }
0x37: {  	s26 =	sor.u32 $0x1900, s21  }
0x38: {  	[tilespmem:s26], [sflag:$0x5] =	stream.indirect_vreg.gather [hbm4b:s3+s1], $0x80, v3, vm0, $0x2000b8;
	[tilespmem:$0x10100] =	vst v63  }
0x39: {  	v3 =	vld [tilespmem:s22+$0x20];
	_ =	sdelay $0x4  }
0x3a: {  	v58 =	vshll.u32 v3, $0x1  }
0x3b: {  	v3 =	vand.u32 $0x7, v3;
	v4 =	vand.u32 $0xFFFFFFF0, v58  }
0x3c: {  	v3 =	vor.u32 v3, v4  }
0x3d: {  	v4 =	vperm.xlane v3, v0;
	_ =	sdelay $0x1  }
0x3e: {  	v3 =	vperm.xlane v3, v2;
	v4 =	vadd.s32 v1, v4;
	_ =	sdelay $0x1  }
0x3f: {  	v3 =	vadd.s32 v1, v3;
	_ =	sdelay $0x1  }
0x40: {  	s28 =	sor.u32 $0x2100, s21  }
0x41: {  	[tilespmem:s28], [sflag:$0x5] =	stream.indirect_vreg.gather [hbm4b:s3+s1], $0x80, v4, vm0, $0x2000b8;
	[tilespmem:$0x10100] =	vst v63  }
0x42: {  	s29 =	sor.u32 $0x2900, s21  }
0x43: {  	[tilespmem:s29], [sflag:$0x5] =	stream.indirect_vreg.gather [hbm4b:s3+s1], $0x80, v3, vm0, $0x2000b8;
	[tilespmem:$0x10100] =	vst v63  }
0x44: {  	v3 =	vld [tilespmem:s22+$0x30];
	_ =	sdelay $0x4  }
0x45: {  	v59 =	vshll.u32 v3, $0x1  }
0x46: {  	v3 =	vand.u32 $0x7, v3;
	v4 =	vand.u32 $0xFFFFFFF0, v59  }
0x47: {  	v3 =	vor.u32 v3, v4  }
0x48: {  	v4 =	vperm.xlane v3, v0;
	_ =	sdelay $0x1  }
0x49: {  	v3 =	vperm.xlane v3, v2;
	v4 =	vadd.s32 v1, v4;
	_ =	sdelay $0x1  }
0x4a: {  	v3 =	vadd.s32 v1, v3;
	_ =	sdelay $0x1  }
0x4b: {  	s30 =	sor.u32 $0x3100, s21  }
0x4c: {  	[tilespmem:s30], [sflag:$0x5] =	stream.indirect_vreg.gather [hbm4b:s3+s1], $0x80, v4, vm0, $0x2000b8;
	[tilespmem:$0x10100] =	vst v63  }
0x4d: {  	s31 =	sor.u32 $0x3900, s21  }
0x4e: {  	[tilespmem:s31], [sflag:$0x5] =	stream.indirect_vreg.gather [hbm4b:s3+s1], $0x80, v3, vm0, $0x2000b8;
	[tilespmem:$0x10100] =	vst v63  }
0x4f: {  	v3 =	vld [tilespmem:s22+$0x40];
	_ =	sdelay $0x4  }
0x50: {  	v60 =	vshll.u32 v3, $0x1  }
0x51: {  	v3 =	vand.u32 $0x7, v3;
	v4 =	vand.u32 $0xFFFFFFF0, v60  }
0x52: {  	v3 =	vor.u32 v3, v4  }
0x53: {  	v4 =	vperm.xlane v3, v0;
	_ =	sdelay $0x1  }
0x54: {  	v3 =	vperm.xlane v3, v2;
	v4 =	vadd.s32 v1, v4;
	_ =	sdelay $0x1  }
0x55: {  	v3 =	vadd.s32 v1, v3;
	_ =	sdelay $0x1  }
0x56: {  	s24 =	sor.u32 $0x4100, s21  }
0x57: {  	[tilespmem:s24], [sflag:$0x5] =	stream.indirect_vreg.gather [hbm4b:s3+s1], $0x80, v4, vm0, $0x2000b8;
	[tilespmem:$0x10100] =	vst v63  }
0x58: {  	s25 =	sor.u32 $0x4900, s21  }
0x59: {  	[tilespmem:s25], [sflag:$0x5] =	stream.indirect_vreg.gather [hbm4b:s3+s1], $0x80, v3, vm0, $0x2000b8;
	[tilespmem:$0x10100] =	vst v63  }
0x5a: {  	v3 =	vld [tilespmem:s22+$0x50];
	_ =	sdelay $0x4  }
0x5b: {  	v61 =	vshll.u32 v3, $0x1  }
0x5c: {  	v3 =	vand.u32 $0x7, v3;
	v4 =	vand.u32 $0xFFFFFFF0, v61  }
0x5d: {  	v3 =	vor.u32 v3, v4  }
0x5e: {  	v4 =	vperm.xlane v3, v0;
	_ =	sdelay $0x1  }
0x5f: {  	v3 =	vperm.xlane v3, v2;
	v4 =	vadd.s32 v1, v4;
	_ =	sdelay $0x1  }
0x60: {  	v3 =	vadd.s32 v1, v3;
	_ =	sdelay $0x1  }
0x61: {  	s26 =	sor.u32 $0x5100, s21  }
0x62: {  	[tilespmem:s26], [sflag:$0x5] =	stream.indirect_vreg.gather [hbm4b:s3+s1], $0x80, v4, vm0, $0x2000b8;
	[tilespmem:$0x10100] =	vst v63  }
0x63: {  	s28 =	sor.u32 $0x5900, s21  }
0x64: {  	[tilespmem:s28], [sflag:$0x5] =	stream.indirect_vreg.gather [hbm4b:s3+s1], $0x80, v3, vm0, $0x2000b8;
	[tilespmem:$0x10100] =	vst v63  }
0x65: {  	v3 =	vld [tilespmem:s22+$0x60];
	_ =	sdelay $0x4  }
0x66: {  	v62 =	vshll.u32 v3, $0x1  }
0x67: {  	v3 =	vand.u32 $0x7, v3;
	v4 =	vand.u32 $0xFFFFFFF0, v62  }
0x68: {  	v3 =	vor.u32 v3, v4  }
0x69: {  	v4 =	vperm.xlane v3, v0;
	_ =	sdelay $0x1  }
0x6a: {  	v3 =	vperm.xlane v3, v2;
	v4 =	vadd.s32 v1, v4;
	_ =	sdelay $0x1  }
0x6b: {  	v3 =	vadd.s32 v1, v3;
	_ =	sdelay $0x1  }
0x6c: {  	s29 =	sor.u32 $0x6100, s21  }
0x6d: {  	[tilespmem:s29], [sflag:$0x5] =	stream.indirect_vreg.gather [hbm4b:s3+s1], $0x80, v4, vm0, $0x2000b8;
	[tilespmem:$0x10100] =	vst v63  }
0x6e: {  	s30 =	sor.u32 $0x6900, s21  }
0x6f: {  	[tilespmem:s30], [sflag:$0x5] =	stream.indirect_vreg.gather [hbm4b:s3+s1], $0x80, v3, vm0, $0x2000b8;
	[tilespmem:$0x10100] =	vst v63  }
0x70: {  	v3 =	vld [tilespmem:s22+$0x70];
	_ =	sdelay $0x4  }
0x71: {  	v63 =	vshll.u32 v3, $0x1  }
0x72: {  	v3 =	vand.u32 $0x7, v3;
	v4 =	vand.u32 $0xFFFFFFF0, v63  }
0x73: {  	v3 =	vor.u32 v3, v4  }
0x74: {  	v4 =	vperm.xlane v3, v0;
	_ =	sdelay $0x1  }
0x75: {  	v3 =	vperm.xlane v3, v2;
	v4 =	vadd.s32 v1, v4;
	_ =	sdelay $0x1  }
0x76: {  	v3 =	vadd.s32 v1, v3;
	_ =	sdelay $0x1  }
0x77: {  	s31 =	sor.u32 $0x7100, s21  }
0x78: {  	[tilespmem:s31], [sflag:$0x5] =	stream.indirect_vreg.gather [hbm4b:s3+s1], $0x80, v4, vm0, $0x2000b8;
	[tilespmem:$0x10100] =	vst v63  }
0x79: {  	s21 =	sor.u32 $0x7900, s21  }
0x7a: {  	[tilespmem:s21], [sflag:$0x5] =	stream.indirect_vreg.gather [hbm4b:s3+s1], $0x80, v3, vm0, $0x2000b8;
	[tilespmem:$0x10100] =	vst v63  }
0x7b: {  	_ =	swait.ge [sflag:s7], $0x8000  }
0x7c: {  	p2 =	seq.s32 s9, s17;
	[sflag:s7] =	ssyncset.done $0x0  }
0x7d: {  	s18 =	sadd.s32 s4, s18;
	p1 =	por p2, p1;
	[sflag:s7] =	ssyncadd.s32 $0xFFFF8000  }
0x7e: {  	s18 =	sshll.u32 @p1 s18, $0xC;
	_ =	strace $0x9000004B  }
0x7f: {  	s18 =	sand.u32 @p1 $0x1FFFF000, s18;
	s22 =	simm.s32 $0x1;
	_ =	strace @p1 $0x8000004C  }
0x80: {  	s19 =	sadd.s32 @p1 $0x3, s19;
	s22 =	simm.s32 @!p0 $0x0;
	s21 =	rddreg [dreg:$0x3]  }
0x81: {  	p0 =	seq.s32 s17, $0x0;
	s18 =	sadd.s32 @p1 s21, s18;
	s21 =	simm.s32 @p1 $0x0  }
0x82: {  	[hbm4b:s18+s21] =	stream.linear.scatter @p1 [tilespmem:s20], [sflag:s19], $0x8000, $0x200038;
	[tilespmem:$0x10100] =	vst v63  }
0x83: {  	s18 =	simm.s32 $0x1;
	s20 =	simm.s32 $0x1;
	_ =	strace @p1 $0x9000004C  }
0x84: {  	s18 =	simm.s32 @!p1 $0x0;
	p1 =	sne.s32 s17, $0x0;
	s17 =	sadd.s32 $0x1, s17  }
0x85: {  	s19 =	sand.u32 @!p0 $0x1, s12;
	s20 =	simm.s32 @!p1 $0x0;
	p1 =	sne.s32 s6, s17  }
.Ltmp0:
0x86: {  	s19 =	sadd.s32 @!p0 $0x3, s19;
	_ =	strace @!p0 $0x8000004D;
	(pc) =	sbr.rel @p1 .LBB2_2-.Ltmp0, $4  }
0x87: {  	_ =	swait.ge @!p0 [sflag:s19], $0x8000  }
0x88: {  	[sflag:s19] =	ssyncset.done @!p0 $0x0  }
0x89: {  	s16 =	sadd.s32 s22, s16;
	s14 =	sadd.s32 s18, s14;
	[sflag:s19] =	ssyncadd.s32 @!p0 $0xFFFF8000  }
0x8a: {  	s15 =	sadd.s32 s18, s15;
	s12 =	sadd.s32 s20, s12;
	_ =	strace @!p0 $0x9000004D  }
0x8b: {  	s11 =	sadd.s32 $0x1, s11  }
0x8c: {  	s12 =	sand.u32 $0x1, s12;
	p0 =	sne.s32 s11, s10  }
.Ltmp1:
0x8d: {  	_ =	strace $0x8000004E;
	s12 =	sadd.s32 $0x3, s12;
	(pc) =	sbr.rel @p0 .LBB2_1-.Ltmp1, $4  }
0x8e: {  	_ =	swait.ge [sflag:s12], $0x8000  }
0x8f: {  	[sflag:s12] =	ssyncset.done $0x0  }
0x90: {  	[sflag:s12] =	ssyncadd.s32 $0xFFFF8000  }
0x91: {  	_ =	strace $0x9000004E  }
0x92: {  	_ =	sfence.sel $0x180000  }
0x93: {  	[bflag:$0x0] =	sbarrier.arrive $0xFFFF  }
0x94: {  	p0 =	sne.s32 s2, $0x0;
	_ =	strace $0x90000047  }
0x95: {  	s0 =	sadd.s32 @!p0 $0x100000, s0;
	[bflag:$0x2] =	sbarrier.arrive $0xFFFF  }
0x96: {  	[sflag:s0] =	ssyncadd.tile.s32 @!p0 $0x1;
	_ =	shalt  }
.Lfunc_end2:
_tile_overlayer_lowered:
.L_overlay_start_2:
0x97: {  	(tag) =	ssettag $0x2  }
0x98: {  	s0 =	rddreg [dreg:$0x0];
	s2 =	stileid.u32  }
0x99: {  	s1 =	rddreg [dreg:$0x1];
	p0 =	sne.s32 s2, $0x0  }
0x9a: {  	s3 =	rddreg [dreg:$0x2];
	[bflag:$0x3] =	sbarrier.arrive $0xFFFF;
	s2 =	simm.s32 @!p0 $0x1C01  }
0x9b: {  	[timem:s3], [sflag:s2] =	dma.local @!p0 [hbm:s0], s1  }
0x9c: {  	s0 =	simm.s32 @!p0 $0x1  }
0x9d: {  	_ =	swait.ge @!p0 [sflag:s0], s1  }
0x9e: {  	s1 =	ssub.s32 @!p0 $0x0, s1;
	[sflag:s0] =	ssyncset.done @!p0 $0x0  }
0x9f: {  	[sflag:s0] =	ssyncadd.s32 @!p0 s1  }
0xa0: {  	[bflag:$0x3] =	sbarrier.arrive $0xFFFF  }
0xa1: {  	_ =	shalt  }

</sc_bundles>
